<compile_context>
chip_gen: v7x
topology: tpu7x:2x2x1
jax: 0.10.2.dev20260603
libtpu: 0.0.44.dev20260713+nightly
codegen_flags: <defaults>
</compile_context>

<pallas_src>
import functools

import jax
import jax.numpy as jnp
from jax import lax
from jax.experimental import pallas as pl
from jax.experimental.pallas import tpu as pltpu
from jax.experimental.pallas import tpu_sc as plsc

LEVEL = 16
HIDDEN = 32
EMB_D = LEVEL * HIDDEN

NUM_CORES = 2
NUM_SUBCORES = 16
NW = NUM_CORES * NUM_SUBCORES

CHUNK = 80
NBUF = 2


def _make_gather(total, width, tc_tiling):
    assert total % NW == 0
    bpw = total // NW
    assert bpw % (CHUNK * NBUF) == 0
    nch = bpw // CHUNK
    ngroups = nch // NBUF

    mesh = plsc.VectorSubcoreMesh(core_axis_name="c", subcore_axis_name="s")

    @functools.partial(
        pl.kernel,
        mesh=mesh,
        compiler_params=pltpu.CompilerParams(use_tc_tiling_on_sc=tc_tiling),
        out_type=jax.ShapeDtypeStruct((total, width), jnp.float32),
        scratch_types=(
            [pltpu.VMEM((bpw,), jnp.int32)]
            + [pltpu.VMEM((CHUNK, width), jnp.float32) for _ in range(NBUF)]
            + [pltpu.SemaphoreType.DMA for _ in range(2 * NBUF)]
        ),
    )
    def gather_kernel(idx_hbm, table_hbm, out_hbm, idx_v, *scratch):
        bufs = scratch[:NBUF]
        gsem = scratch[NBUF:2 * NBUF]
        wsem = scratch[2 * NBUF:]

        wid = lax.axis_index("s") * NUM_CORES + lax.axis_index("c")
        base = wid * bpw
        pltpu.sync_copy(idx_hbm.at[pl.ds(pl.multiple_of(base, bpw), bpw)],
                        idx_v)

        def gather(j, b):
            off = pl.multiple_of(j * CHUNK, CHUNK)
            return pltpu.make_async_copy(
                table_hbm.at[idx_v.at[pl.ds(off, CHUNK)]], bufs[b], gsem[b])

        for b in range(NBUF):
            gather(b, b).start()

        def group(g, carry):
            for b in range(NBUF):
                j = g * NBUF + b
                row0 = pl.multiple_of(base + j * CHUNK, CHUNK)
                gather(j, b).wait()
                w = pltpu.make_async_copy(
                    bufs[b], out_hbm.at[pl.ds(row0, CHUNK), :], wsem[b])
                w.start()
                w.wait()

                @pl.when(g < ngroups - 1)
                def _():
                    gather(j + NBUF, b).start()
            return carry

        lax.fori_loop(0, ngroups, group, 0)

    return gather_kernel


BB = 512


def _tc_transpose(x):
    n, batch, w = x.shape

    def body(x_ref, o_ref):
        o_ref[...] = jnp.transpose(x_ref[...], (0, 2, 1))

    return pl.pallas_call(
        body,
        grid=(n, batch // BB),
        in_specs=[pl.BlockSpec((1, BB, w), lambda i, j: (i, j, 0))],
        out_specs=pl.BlockSpec((1, w, BB), lambda i, j: (i, 0, j)),
        out_shape=jax.ShapeDtypeStruct((n, w, batch), jnp.float32),
    )(x)


def _tc_transpose_halves(x0, x1):
    nh, batch, w = x0.shape
    n = 2 * nh

    def body0(x_ref, o_ref):
        o_ref[...] = jnp.transpose(x_ref[...], (0, 2, 1))

    y = pl.pallas_call(
        body0,
        grid=(nh, batch // BB),
        in_specs=[pl.BlockSpec((1, BB, w), lambda i, j: (i, j, 0))],
        out_specs=pl.BlockSpec((1, w, BB), lambda i, j: (i, 0, j)),
        out_shape=jax.ShapeDtypeStruct((n, w, batch), jnp.float32),
    )(x0)

    def body1(full_ref, x_ref, o_ref):
        del full_ref
        o_ref[...] = jnp.transpose(x_ref[...], (0, 2, 1))

    return pl.pallas_call(
        body1,
        grid=(nh, batch // BB),
        in_specs=[
            pl.BlockSpec(memory_space=pl.ANY),
            pl.BlockSpec((1, BB, w), lambda i, j: (i, j, 0)),
        ],
        out_specs=pl.BlockSpec((1, w, BB), lambda i, j: (i + nh, 0, j)),
        out_shape=jax.ShapeDtypeStruct((n, w, batch), jnp.float32),
        input_output_aliases={0: 0},
    )(y, x1)


def kernel(news_batch, news_id, news_repr_table, news_embedding_table):
    batch, nnews = news_id.shape
    total = batch * nnews
    idx = news_id.astype(jnp.int32).T.reshape(total)
    half = total // 2
    nh = nnews // 2
    emb_gather = _make_gather(half, EMB_D, tc_tiling=True)
    repr_gather = _make_gather(total, HIDDEN, tc_tiling=False)
    out_emb0 = emb_gather(idx[:half], news_embedding_table)
    out_emb1 = emb_gather(idx[half:], news_embedding_table)
    out_repr = repr_gather(idx, news_repr_table)
    emb_t = _tc_transpose_halves(out_emb0.reshape(nh, batch, EMB_D),
                                 out_emb1.reshape(nh, batch, EMB_D))
    repr_t = _tc_transpose(out_repr.reshape(nnews, batch, HIDDEN))
    news_embedding = emb_t.reshape(nnews, LEVEL, HIDDEN, batch).transpose(
        3, 0, 1, 2)
    news_repr = repr_t.transpose(2, 0, 1)
    return (news_embedding, news_repr)

# --- scband reference (transcript-rebuilt; emitter-appended) ---
"""Pipeline reference for scband-pipeline-encoder-9431748182345 (READ-ONLY COPY).

The authoritative reference and input builder live on the scoring server;
editing this copy changes nothing except your own understanding.
"""

import jax, jax.numpy as jnp
import numpy as np

VOCAB = 100000
LEVEL = 16
HIDDEN = 32
BATCH = 1024
NNEWS = 50

def setup_inputs(seed: int = 0) -> dict:
    key = jax.random.key(seed)
    k1, k2, k3, k4 = jax.random.split(key, 4)
    news_batch = jax.random.randint(k1, (BATCH, NNEWS), 0, VOCAB, dtype=jnp.int64 if jax.config.jax_enable_x64 else jnp.int32)
    news_id = jax.random.randint(k2, (BATCH, NNEWS), 0, VOCAB, dtype=jnp.int64 if jax.config.jax_enable_x64 else jnp.int32)
    # frozen pretrained lookup tables (nn.Embedding.from_pretrained)
    news_repr_table = jax.random.normal(k3, (VOCAB, HIDDEN), dtype=jnp.float32)
    news_embedding_table = jax.random.normal(k4, (VOCAB, LEVEL * HIDDEN), dtype=jnp.float32)
    return {
        "news_batch": news_batch,
        "news_id": news_id,
        "news_repr_table": news_repr_table,
        "news_embedding_table": news_embedding_table,
    }

def reference(news_batch, news_id, news_repr_table, news_embedding_table):
    # Dropout in eval mode == identity (deterministic reference).
    # news_repr = self.news_repr(news_id): [B, N, hidden]
    news_repr = jnp.take(news_repr_table, news_id, axis=0)
    # news_embedding = self.news_embedding(news_id).view(news_batch.shape + (level, hidden))
    flat = jnp.take(news_embedding_table, news_id, axis=0)  # [B, N, level*hidden]
    news_embedding = flat.reshape(tuple(news_batch.shape) + (LEVEL, HIDDEN))
    return (news_embedding, news_repr)

if __name__ == "__main__":
    import jax
    _d = setup_inputs()
    print(jax.jit(kernel)(*tuple(_d.values())))

</pallas_src>

<mosaic_0001>
#map = affine_map<(d0, d1) -> (0)>
#map1 = affine_map<(d0, d1) -> (0, 0)>
module attributes {stable_mosaic.version = 14 : i64} {
  func.func @gather_kernel(%arg0: i32, %arg1: i32, %arg2: memref<25600xi32, #tpu.memory_space<hbm>>, %arg3: memref<100000x512xf32, #tpu.memory_space<hbm>>, %arg4: memref<25600x512xf32, #tpu.memory_space<hbm>>, %arg5: memref<800xi32, #tpu.memory_space<vmem>>, %arg6: memref<80x512xf32, #tpu.memory_space<vmem>>, %arg7: memref<80x512xf32, #tpu.memory_space<vmem>>, %arg8: memref<!tpu.dma_semaphore, #tpu.memory_space<semaphore_mem>>, %arg9: memref<!tpu.dma_semaphore, #tpu.memory_space<semaphore_mem>>, %arg10: memref<!tpu.dma_semaphore, #tpu.memory_space<semaphore_mem>>, %arg11: memref<!tpu.dma_semaphore, #tpu.memory_space<semaphore_mem>>) attributes {dimension_semantics = [#tpu.dimension_semantics<core_parallel>, #tpu.dimension_semantics<subcore_parallel>], iteration_bounds = array<i64: 2, 16>, scalar_prefetch = 0 : i64, scratch_operands = 7 : i64, tpu.core_type = #tpu.core_type<sc_vector_subcore>, window_params = [{transform_indices = #map}, {transform_indices = #map1}, {transform_indices = #map1}]} {
    %mul3A = arith.constant 2 : i32
    %mul3A_0 = arith.muli %arg1, %mul3A : i32
    %add3A = arith.addi %mul3A_0, %arg0 : i32
    %mul3A_1 = arith.constant 800 : i32
    %mul3A_2 = arith.muli %add3A, %mul3A_1 : i32
    %multiple_of3A = tpu.assume_multiple %mul3A_2, 800 : i32
    "tpu.region"() ({
      %run_scoped3A = tpu.sem_alloc : memref<!tpu.dma_semaphore, #tpu.memory_space<semaphore_mem>>
      %dma_start3A_19 = tpu.memref_slice %arg2[%multiple_of3A] : memref<25600xi32, #tpu.memory_space<hbm>> -> memref<800xi32, #tpu.memory_space<hbm>>
      %dma_start3A_20 = tpu.memref_slice %arg2[%multiple_of3A] : memref<25600xi32, #tpu.memory_space<hbm>> -> memref<800xi32, #tpu.memory_space<hbm>>
      tpu.enqueue_dma source(%dma_start3A_20 : memref<800xi32, #tpu.memory_space<hbm>>) target(%arg5 : memref<800xi32, #tpu.memory_space<vmem>>) target_semaphore(%run_scoped3A : memref<!tpu.dma_semaphore, #tpu.memory_space<semaphore_mem>>)
      %dma_wait3A = tpu.memref_slice %arg2[%multiple_of3A] : memref<25600xi32, #tpu.memory_space<hbm>> -> memref<800xi32, #tpu.memory_space<hbm>>
      %dma_wait3A_21 = tpu.memref_slice %arg2[%multiple_of3A] : memref<25600xi32, #tpu.memory_space<hbm>> -> memref<800xi32, #tpu.memory_space<hbm>>
      tpu.wait_dma2 semaphore(%run_scoped3A : memref<!tpu.dma_semaphore, #tpu.memory_space<semaphore_mem>>) src(%dma_wait3A_21 : memref<800xi32, #tpu.memory_space<hbm>>) dst(%arg5 : memref<800xi32, #tpu.memory_space<vmem>>)
      tpu.yield
    }) : () -> ()
    %multiple_of3A_3 = arith.constant 0 : i32
    %multiple_of3A_4 = tpu.assume_multiple %multiple_of3A_3, 80 : i32
    %dma_start3A = tpu.memref_slice %arg5[%multiple_of3A_4] : memref<800xi32, #tpu.memory_space<vmem>> -> memref<80xi32, #tpu.memory_space<vmem>>
    %dma_start3A_5 = arith.constant 0 : i32
    %dma_start3A_6 = arith.constant 0 : i32
    %dma_start3A_7 = tpu.memref_slice %arg3[%dma_start3A_5, %dma_start3A_6] : memref<100000x512xf32, #tpu.memory_space<hbm>> -> memref<100000x512xf32, #tpu.memory_space<hbm>>
    tpu.enqueue_indirect_dma source(%dma_start3A_7 : memref<100000x512xf32, #tpu.memory_space<hbm>>) target(%arg6 : memref<80x512xf32, #tpu.memory_space<vmem>>) offsets(%dma_start3A : memref<80xi32, #tpu.memory_space<vmem>>) semaphore(%arg8 : memref<!tpu.dma_semaphore, #tpu.memory_space<semaphore_mem>>)
    %multiple_of3A_8 = arith.constant 80 : i32
    %multiple_of3A_9 = tpu.assume_multiple %multiple_of3A_8, 80 : i32
    %dma_start3A_10 = tpu.memref_slice %arg5[%multiple_of3A_9] : memref<800xi32, #tpu.memory_space<vmem>> -> memref<80xi32, #tpu.memory_space<vmem>>
    %dma_start3A_11 = arith.constant 0 : i32
    %dma_start3A_12 = arith.constant 0 : i32
    %dma_start3A_13 = tpu.memref_slice %arg3[%dma_start3A_11, %dma_start3A_12] : memref<100000x512xf32, #tpu.memory_space<hbm>> -> memref<100000x512xf32, #tpu.memory_space<hbm>>
    tpu.enqueue_indirect_dma source(%dma_start3A_13 : memref<100000x512xf32, #tpu.memory_space<hbm>>) target(%arg7 : memref<80x512xf32, #tpu.memory_space<vmem>>) offsets(%dma_start3A_10 : memref<80xi32, #tpu.memory_space<vmem>>) semaphore(%arg9 : memref<!tpu.dma_semaphore, #tpu.memory_space<semaphore_mem>>)
    %scan3A = arith.constant 0 : i32
    %scan3A_14 = arith.constant 0 : i32
    %scan3A_15 = arith.constant 5 : i32
    %scan3A_16 = arith.addi %scan3A_14, %scan3A_15 : i32
    %scan3A_17 = arith.constant 1 : i32
    scf.for %scan3A_19 = %scan3A_14 to %scan3A_16 step %scan3A_17  : i32 {
      %mul3A_20 = arith.constant 2 : i32
      %mul3A_21 = arith.muli %scan3A_19, %mul3A_20 : i32
      %add3A_22 = arith.constant 0 : i32
      %add3A_23 = arith.addi %mul3A_21, %add3A_22 : i32
      %mul3A_24 = arith.constant 80 : i32
      %mul3A_25 = arith.muli %add3A_23, %mul3A_24 : i32
      %add3A_26 = arith.addi %mul3A_2, %mul3A_25 : i32
      %multiple_of3A_27 = tpu.assume_multiple %add3A_26, 80 : i32
      %mul3A_28 = arith.constant 80 : i32
      %mul3A_29 = arith.muli %add3A_23, %mul3A_28 : i32
      %multiple_of3A_30 = tpu.assume_multiple %mul3A_29, 80 : i32
      %dma_wait3A = tpu.memref_slice %arg5[%multiple_of3A_30] : memref<800xi32, #tpu.memory_space<vmem>> -> memref<80xi32, #tpu.memory_space<vmem>>
      %dma_wait3A_31 = arith.constant 0 : i32
      %dma_wait3A_32 = arith.constant 0 : i32
      %dma_wait3A_33 = tpu.memref_slice %arg3[%dma_wait3A_31, %dma_wait3A_32] : memref<100000x512xf32, #tpu.memory_space<hbm>> -> memref<100000x512xf32, #tpu.memory_space<hbm>>
      tpu.wait_indirect_dma semaphore(%arg8 : memref<!tpu.dma_semaphore, #tpu.memory_space<semaphore_mem>>) src(%dma_wait3A_33 : memref<100000x512xf32, #tpu.memory_space<hbm>>) dst(%arg6 : memref<80x512xf32, #tpu.memory_space<vmem>>)
      %dma_start3A_34 = arith.constant 0 : i32
      %dma_start3A_35 = tpu.memref_slice %arg4[%multiple_of3A_27, %dma_start3A_34] : memref<25600x512xf32, #tpu.memory_space<hbm>> -> memref<80x512xf32, #tpu.memory_space<hbm>>
      %dma_start3A_36 = arith.constant 0 : i32
      %dma_start3A_37 = tpu.memref_slice %arg4[%multiple_of3A_27, %dma_start3A_36] : memref<25600x512xf32, #tpu.memory_space<hbm>> -> memref<80x512xf32, #tpu.memory_space<hbm>>
      tpu.enqueue_dma source(%arg6 : memref<80x512xf32, #tpu.memory_space<vmem>>) target(%dma_start3A_37 : memref<80x512xf32, #tpu.memory_space<hbm>>) target_semaphore(%arg10 : memref<!tpu.dma_semaphore, #tpu.memory_space<semaphore_mem>>)
      %dma_wait3A_38 = arith.constant 0 : i32
      %dma_wait3A_39 = tpu.memref_slice %arg4[%multiple_of3A_27, %dma_wait3A_38] : memref<25600x512xf32, #tpu.memory_space<hbm>> -> memref<80x512xf32, #tpu.memory_space<hbm>>
      %dma_wait3A_40 = arith.constant 0 : i32
      %dma_wait3A_41 = tpu.memref_slice %arg4[%multiple_of3A_27, %dma_wait3A_40] : memref<25600x512xf32, #tpu.memory_space<hbm>> -> memref<80x512xf32, #tpu.memory_space<hbm>>
      tpu.wait_dma2 semaphore(%arg10 : memref<!tpu.dma_semaphore, #tpu.memory_space<semaphore_mem>>) src(%arg6 : memref<80x512xf32, #tpu.memory_space<vmem>>) dst(%dma_wait3A_41 : memref<80x512xf32, #tpu.memory_space<hbm>>)
      %lt3A = arith.constant 4 : i32
      %lt3A_42 = arith.cmpi slt, %scan3A_19, %lt3A : i32
      %convert_element_type3A = arith.extui %lt3A_42 : i1 to i32
      %cond3A = arith.constant 0 : i32
      %cond3A_43 = arith.cmpi ne, %convert_element_type3A, %cond3A : i32
      scf.if %cond3A_43 {
        %add3A_72 = arith.constant 2 : i32
        %add3A_73 = arith.addi %add3A_23, %add3A_72 : i32
        %mul3A_74 = arith.constant 80 : i32
        %mul3A_75 = arith.muli %add3A_73, %mul3A_74 : i32
        %multiple_of3A_76 = tpu.assume_multiple %mul3A_75, 80 : i32
        %dma_start3A_77 = tpu.memref_slice %arg5[%multiple_of3A_76] : memref<800xi32, #tpu.memory_space<vmem>> -> memref<80xi32, #tpu.memory_space<vmem>>
        %dma_start3A_78 = arith.constant 0 : i32
        %dma_start3A_79 = arith.constant 0 : i32
        %dma_start3A_80 = tpu.memref_slice %arg3[%dma_start3A_78, %dma_start3A_79] : memref<100000x512xf32, #tpu.memory_space<hbm>> -> memref<100000x512xf32, #tpu.memory_space<hbm>>
        tpu.enqueue_indirect_dma source(%dma_start3A_80 : memref<100000x512xf32, #tpu.memory_space<hbm>>) target(%arg6 : memref<80x512xf32, #tpu.memory_space<vmem>>) offsets(%dma_start3A_77 : memref<80xi32, #tpu.memory_space<vmem>>) semaphore(%arg8 : memref<!tpu.dma_semaphore, #tpu.memory_space<semaphore_mem>>)
      } else {
      }
      %mul3A_44 = arith.constant 2 : i32
      %mul3A_45 = arith.muli %scan3A_19, %mul3A_44 : i32
      %add3A_46 = arith.constant 1 : i32
      %add3A_47 = arith.addi %mul3A_45, %add3A_46 : i32
      %mul3A_48 = arith.constant 80 : i32
      %mul3A_49 = arith.muli %add3A_47, %mul3A_48 : i32
      %add3A_50 = arith.addi %mul3A_2, %mul3A_49 : i32
      %multiple_of3A_51 = tpu.assume_multiple %add3A_50, 80 : i32
      %mul3A_52 = arith.constant 80 : i32
      %mul3A_53 = arith.muli %add3A_47, %mul3A_52 : i32
      %multiple_of3A_54 = tpu.assume_multiple %mul3A_53, 80 : i32
      %dma_wait3A_55 = tpu.memref_slice %arg5[%multiple_of3A_54] : memref<800xi32, #tpu.memory_space<vmem>> -> memref<80xi32, #tpu.memory_space<vmem>>
      %dma_wait3A_56 = arith.constant 0 : i32
      %dma_wait3A_57 = arith.constant 0 : i32
      %dma_wait3A_58 = tpu.memref_slice %arg3[%dma_wait3A_56, %dma_wait3A_57] : memref<100000x512xf32, #tpu.memory_space<hbm>> -> memref<100000x512xf32, #tpu.memory_space<hbm>>
      tpu.wait_indirect_dma semaphore(%arg9 : memref<!tpu.dma_semaphore, #tpu.memory_space<semaphore_mem>>) src(%dma_wait3A_58 : memref<100000x512xf32, #tpu.memory_space<hbm>>) dst(%arg7 : memref<80x512xf32, #tpu.memory_space<vmem>>)
      %dma_start3A_59 = arith.constant 0 : i32
      %dma_start3A_60 = tpu.memref_slice %arg4[%multiple_of3A_51, %dma_start3A_59] : memref<25600x512xf32, #tpu.memory_space<hbm>> -> memref<80x512xf32, #tpu.memory_space<hbm>>
      %dma_start3A_61 = arith.constant 0 : i32
      %dma_start3A_62 = tpu.memref_slice %arg4[%multiple_of3A_51, %dma_start3A_61] : memref<25600x512xf32, #tpu.memory_space<hbm>> -> memref<80x512xf32, #tpu.memory_space<hbm>>
      tpu.enqueue_dma source(%arg7 : memref<80x512xf32, #tpu.memory_space<vmem>>) target(%dma_start3A_62 : memref<80x512xf32, #tpu.memory_space<hbm>>) target_semaphore(%arg11 : memref<!tpu.dma_semaphore, #tpu.memory_space<semaphore_mem>>)
      %dma_wait3A_63 = arith.constant 0 : i32
      %dma_wait3A_64 = tpu.memref_slice %arg4[%multiple_of3A_51, %dma_wait3A_63] : memref<25600x512xf32, #tpu.memory_space<hbm>> -> memref<80x512xf32, #tpu.memory_space<hbm>>
      %dma_wait3A_65 = arith.constant 0 : i32
      %dma_wait3A_66 = tpu.memref_slice %arg4[%multiple_of3A_51, %dma_wait3A_65] : memref<25600x512xf32, #tpu.memory_space<hbm>> -> memref<80x512xf32, #tpu.memory_space<hbm>>
      tpu.wait_dma2 semaphore(%arg11 : memref<!tpu.dma_semaphore, #tpu.memory_space<semaphore_mem>>) src(%arg7 : memref<80x512xf32, #tpu.memory_space<vmem>>) dst(%dma_wait3A_66 : memref<80x512xf32, #tpu.memory_space<hbm>>)
      %lt3A_67 = arith.constant 4 : i32
      %lt3A_68 = arith.cmpi slt, %scan3A_19, %lt3A_67 : i32
      %convert_element_type3A_69 = arith.extui %lt3A_68 : i1 to i32
      %cond3A_70 = arith.constant 0 : i32
      %cond3A_71 = arith.cmpi ne, %convert_element_type3A_69, %cond3A_70 : i32
      scf.if %cond3A_71 {
        %add3A_72 = arith.constant 2 : i32
        %add3A_73 = arith.addi %add3A_47, %add3A_72 : i32
        %mul3A_74 = arith.constant 80 : i32
        %mul3A_75 = arith.muli %add3A_73, %mul3A_74 : i32
        %multiple_of3A_76 = tpu.assume_multiple %mul3A_75, 80 : i32
        %dma_start3A_77 = tpu.memref_slice %arg5[%multiple_of3A_76] : memref<800xi32, #tpu.memory_space<vmem>> -> memref<80xi32, #tpu.memory_space<vmem>>
        %dma_start3A_78 = arith.constant 0 : i32
        %dma_start3A_79 = arith.constant 0 : i32
        %dma_start3A_80 = tpu.memref_slice %arg3[%dma_start3A_78, %dma_start3A_79] : memref<100000x512xf32, #tpu.memory_space<hbm>> -> memref<100000x512xf32, #tpu.memory_space<hbm>>
        tpu.enqueue_indirect_dma source(%dma_start3A_80 : memref<100000x512xf32, #tpu.memory_space<hbm>>) target(%arg7 : memref<80x512xf32, #tpu.memory_space<vmem>>) offsets(%dma_start3A_77 : memref<80xi32, #tpu.memory_space<vmem>>) semaphore(%arg9 : memref<!tpu.dma_semaphore, #tpu.memory_space<semaphore_mem>>)
      } else {
      }
    }
    %scan3A_18 = arith.constant 5 : i32
    return
  }
}

#map = affine_map<(d0, d1) -> (0)>
#map1 = affine_map<(d0, d1) -> (0, 0)>
module attributes {stable_mosaic.version = 14 : i64} {
  func.func @gather_kernel(%arg0: i32, %arg1: i32, %arg2: memref<51200xi32, #tpu.memory_space<hbm>>, %arg3: memref<100000x32xf32, #tpu.memory_space<hbm>>, %arg4: memref<51200x32xf32, #tpu.memory_space<hbm>>, %arg5: memref<1600xi32, #tpu.memory_space<vmem>>, %arg6: memref<80x32xf32, #tpu.memory_space<vmem>>, %arg7: memref<80x32xf32, #tpu.memory_space<vmem>>, %arg8: memref<!tpu.dma_semaphore, #tpu.memory_space<semaphore_mem>>, %arg9: memref<!tpu.dma_semaphore, #tpu.memory_space<semaphore_mem>>, %arg10: memref<!tpu.dma_semaphore, #tpu.memory_space<semaphore_mem>>, %arg11: memref<!tpu.dma_semaphore, #tpu.memory_space<semaphore_mem>>) attributes {dimension_semantics = [#tpu.dimension_semantics<core_parallel>, #tpu.dimension_semantics<subcore_parallel>], iteration_bounds = array<i64: 2, 16>, scalar_prefetch = 0 : i64, scratch_operands = 7 : i64, tpu.core_type = #tpu.core_type<sc_vector_subcore>, window_params = [{transform_indices = #map}, {transform_indices = #map1}, {transform_indices = #map1}]} {
    %mul3A = arith.constant 2 : i32
    %mul3A_0 = arith.muli %arg1, %mul3A : i32
    %add3A = arith.addi %mul3A_0, %arg0 : i32
    %mul3A_1 = arith.constant 1600 : i32
    %mul3A_2 = arith.muli %add3A, %mul3A_1 : i32
    %multiple_of3A = tpu.assume_multiple %mul3A_2, 1600 : i32
    "tpu.region"() ({
      %run_scoped3A = tpu.sem_alloc : memref<!tpu.dma_semaphore, #tpu.memory_space<semaphore_mem>>
      %dma_start3A_19 = tpu.memref_slice %arg2[%multiple_of3A] : memref<51200xi32, #tpu.memory_space<hbm>> -> memref<1600xi32, #tpu.memory_space<hbm>>
      %dma_start3A_20 = tpu.memref_slice %arg2[%multiple_of3A] : memref<51200xi32, #tpu.memory_space<hbm>> -> memref<1600xi32, #tpu.memory_space<hbm>>
      tpu.enqueue_dma source(%dma_start3A_20 : memref<1600xi32, #tpu.memory_space<hbm>>) target(%arg5 : memref<1600xi32, #tpu.memory_space<vmem>>) target_semaphore(%run_scoped3A : memref<!tpu.dma_semaphore, #tpu.memory_space<semaphore_mem>>)
      %dma_wait3A = tpu.memref_slice %arg2[%multiple_of3A] : memref<51200xi32, #tpu.memory_space<hbm>> -> memref<1600xi32, #tpu.memory_space<hbm>>
      %dma_wait3A_21 = tpu.memref_slice %arg2[%multiple_of3A] : memref<51200xi32, #tpu.memory_space<hbm>> -> memref<1600xi32, #tpu.memory_space<hbm>>
      tpu.wait_dma2 semaphore(%run_scoped3A : memref<!tpu.dma_semaphore, #tpu.memory_space<semaphore_mem>>) src(%dma_wait3A_21 : memref<1600xi32, #tpu.memory_space<hbm>>) dst(%arg5 : memref<1600xi32, #tpu.memory_space<vmem>>)
      tpu.yield
    }) : () -> ()
    %multiple_of3A_3 = arith.constant 0 : i32
    %multiple_of3A_4 = tpu.assume_multiple %multiple_of3A_3, 80 : i32
    %dma_start3A = tpu.memref_slice %arg5[%multiple_of3A_4] : memref<1600xi32, #tpu.memory_space<vmem>> -> memref<80xi32, #tpu.memory_space<vmem>>
    %dma_start3A_5 = arith.constant 0 : i32
    %dma_start3A_6 = arith.constant 0 : i32
    %dma_start3A_7 = tpu.memref_slice %arg3[%dma_start3A_5, %dma_start3A_6] : memref<100000x32xf32, #tpu.memory_space<hbm>> -> memref<100000x32xf32, #tpu.memory_space<hbm>>
    tpu.enqueue_indirect_dma source(%dma_start3A_7 : memref<100000x32xf32, #tpu.memory_space<hbm>>) target(%arg6 : memref<80x32xf32, #tpu.memory_space<vmem>>) offsets(%dma_start3A : memref<80xi32, #tpu.memory_space<vmem>>) semaphore(%arg8 : memref<!tpu.dma_semaphore, #tpu.memory_space<semaphore_mem>>)
    %multiple_of3A_8 = arith.constant 80 : i32
    %multiple_of3A_9 = tpu.assume_multiple %multiple_of3A_8, 80 : i32
    %dma_start3A_10 = tpu.memref_slice %arg5[%multiple_of3A_9] : memref<1600xi32, #tpu.memory_space<vmem>> -> memref<80xi32, #tpu.memory_space<vmem>>
    %dma_start3A_11 = arith.constant 0 : i32
    %dma_start3A_12 = arith.constant 0 : i32
    %dma_start3A_13 = tpu.memref_slice %arg3[%dma_start3A_11, %dma_start3A_12] : memref<100000x32xf32, #tpu.memory_space<hbm>> -> memref<100000x32xf32, #tpu.memory_space<hbm>>
    tpu.enqueue_indirect_dma source(%dma_start3A_13 : memref<100000x32xf32, #tpu.memory_space<hbm>>) target(%arg7 : memref<80x32xf32, #tpu.memory_space<vmem>>) offsets(%dma_start3A_10 : memref<80xi32, #tpu.memory_space<vmem>>) semaphore(%arg9 : memref<!tpu.dma_semaphore, #tpu.memory_space<semaphore_mem>>)
    %scan3A = arith.constant 0 : i32
    %scan3A_14 = arith.constant 0 : i32
    %scan3A_15 = arith.constant 10 : i32
    %scan3A_16 = arith.addi %scan3A_14, %scan3A_15 : i32
    %scan3A_17 = arith.constant 1 : i32
    scf.for %scan3A_19 = %scan3A_14 to %scan3A_16 step %scan3A_17  : i32 {
      %mul3A_20 = arith.constant 2 : i32
      %mul3A_21 = arith.muli %scan3A_19, %mul3A_20 : i32
      %add3A_22 = arith.constant 0 : i32
      %add3A_23 = arith.addi %mul3A_21, %add3A_22 : i32
      %mul3A_24 = arith.constant 80 : i32
      %mul3A_25 = arith.muli %add3A_23, %mul3A_24 : i32
      %add3A_26 = arith.addi %mul3A_2, %mul3A_25 : i32
      %multiple_of3A_27 = tpu.assume_multiple %add3A_26, 80 : i32
      %mul3A_28 = arith.constant 80 : i32
      %mul3A_29 = arith.muli %add3A_23, %mul3A_28 : i32
      %multiple_of3A_30 = tpu.assume_multiple %mul3A_29, 80 : i32
      %dma_wait3A = tpu.memref_slice %arg5[%multiple_of3A_30] : memref<1600xi32, #tpu.memory_space<vmem>> -> memref<80xi32, #tpu.memory_space<vmem>>
      %dma_wait3A_31 = arith.constant 0 : i32
      %dma_wait3A_32 = arith.constant 0 : i32
      %dma_wait3A_33 = tpu.memref_slice %arg3[%dma_wait3A_31, %dma_wait3A_32] : memref<100000x32xf32, #tpu.memory_space<hbm>> -> memref<100000x32xf32, #tpu.memory_space<hbm>>
      tpu.wait_indirect_dma semaphore(%arg8 : memref<!tpu.dma_semaphore, #tpu.memory_space<semaphore_mem>>) src(%dma_wait3A_33 : memref<100000x32xf32, #tpu.memory_space<hbm>>) dst(%arg6 : memref<80x32xf32, #tpu.memory_space<vmem>>)
      %dma_start3A_34 = arith.constant 0 : i32
      %dma_start3A_35 = tpu.memref_slice %arg4[%multiple_of3A_27, %dma_start3A_34] : memref<51200x32xf32, #tpu.memory_space<hbm>> -> memref<80x32xf32, #tpu.memory_space<hbm>>
      %dma_start3A_36 = arith.constant 0 : i32
      %dma_start3A_37 = tpu.memref_slice %arg4[%multiple_of3A_27, %dma_start3A_36] : memref<51200x32xf32, #tpu.memory_space<hbm>> -> memref<80x32xf32, #tpu.memory_space<hbm>>
      tpu.enqueue_dma source(%arg6 : memref<80x32xf32, #tpu.memory_space<vmem>>) target(%dma_start3A_37 : memref<80x32xf32, #tpu.memory_space<hbm>>) target_semaphore(%arg10 : memref<!tpu.dma_semaphore, #tpu.memory_space<semaphore_mem>>)
      %dma_wait3A_38 = arith.constant 0 : i32
      %dma_wait3A_39 = tpu.memref_slice %arg4[%multiple_of3A_27, %dma_wait3A_38] : memref<51200x32xf32, #tpu.memory_space<hbm>> -> memref<80x32xf32, #tpu.memory_space<hbm>>
      %dma_wait3A_40 = arith.constant 0 : i32
      %dma_wait3A_41 = tpu.memref_slice %arg4[%multiple_of3A_27, %dma_wait3A_40] : memref<51200x32xf32, #tpu.memory_space<hbm>> -> memref<80x32xf32, #tpu.memory_space<hbm>>
      tpu.wait_dma2 semaphore(%arg10 : memref<!tpu.dma_semaphore, #tpu.memory_space<semaphore_mem>>) src(%arg6 : memref<80x32xf32, #tpu.memory_space<vmem>>) dst(%dma_wait3A_41 : memref<80x32xf32, #tpu.memory_space<hbm>>)
      %lt3A = arith.constant 9 : i32
      %lt3A_42 = arith.cmpi slt, %scan3A_19, %lt3A : i32
      %convert_element_type3A = arith.extui %lt3A_42 : i1 to i32
      %cond3A = arith.constant 0 : i32
      %cond3A_43 = arith.cmpi ne, %convert_element_type3A, %cond3A : i32
      scf.if %cond3A_43 {
        %add3A_72 = arith.constant 2 : i32
        %add3A_73 = arith.addi %add3A_23, %add3A_72 : i32
        %mul3A_74 = arith.constant 80 : i32
        %mul3A_75 = arith.muli %add3A_73, %mul3A_74 : i32
        %multiple_of3A_76 = tpu.assume_multiple %mul3A_75, 80 : i32
        %dma_start3A_77 = tpu.memref_slice %arg5[%multiple_of3A_76] : memref<1600xi32, #tpu.memory_space<vmem>> -> memref<80xi32, #tpu.memory_space<vmem>>
        %dma_start3A_78 = arith.constant 0 : i32
        %dma_start3A_79 = arith.constant 0 : i32
        %dma_start3A_80 = tpu.memref_slice %arg3[%dma_start3A_78, %dma_start3A_79] : memref<100000x32xf32, #tpu.memory_space<hbm>> -> memref<100000x32xf32, #tpu.memory_space<hbm>>
        tpu.enqueue_indirect_dma source(%dma_start3A_80 : memref<100000x32xf32, #tpu.memory_space<hbm>>) target(%arg6 : memref<80x32xf32, #tpu.memory_space<vmem>>) offsets(%dma_start3A_77 : memref<80xi32, #tpu.memory_space<vmem>>) semaphore(%arg8 : memref<!tpu.dma_semaphore, #tpu.memory_space<semaphore_mem>>)
      } else {
      }
      %mul3A_44 = arith.constant 2 : i32
      %mul3A_45 = arith.muli %scan3A_19, %mul3A_44 : i32
      %add3A_46 = arith.constant 1 : i32
      %add3A_47 = arith.addi %mul3A_45, %add3A_46 : i32
      %mul3A_48 = arith.constant 80 : i32
      %mul3A_49 = arith.muli %add3A_47, %mul3A_48 : i32
      %add3A_50 = arith.addi %mul3A_2, %mul3A_49 : i32
      %multiple_of3A_51 = tpu.assume_multiple %add3A_50, 80 : i32
      %mul3A_52 = arith.constant 80 : i32
      %mul3A_53 = arith.muli %add3A_47, %mul3A_52 : i32
      %multiple_of3A_54 = tpu.assume_multiple %mul3A_53, 80 : i32
      %dma_wait3A_55 = tpu.memref_slice %arg5[%multiple_of3A_54] : memref<1600xi32, #tpu.memory_space<vmem>> -> memref<80xi32, #tpu.memory_space<vmem>>
      %dma_wait3A_56 = arith.constant 0 : i32
      %dma_wait3A_57 = arith.constant 0 : i32
      %dma_wait3A_58 = tpu.memref_slice %arg3[%dma_wait3A_56, %dma_wait3A_57] : memref<100000x32xf32, #tpu.memory_space<hbm>> -> memref<100000x32xf32, #tpu.memory_space<hbm>>
      tpu.wait_indirect_dma semaphore(%arg9 : memref<!tpu.dma_semaphore, #tpu.memory_space<semaphore_mem>>) src(%dma_wait3A_58 : memref<100000x32xf32, #tpu.memory_space<hbm>>) dst(%arg7 : memref<80x32xf32, #tpu.memory_space<vmem>>)
      %dma_start3A_59 = arith.constant 0 : i32
      %dma_start3A_60 = tpu.memref_slice %arg4[%multiple_of3A_51, %dma_start3A_59] : memref<51200x32xf32, #tpu.memory_space<hbm>> -> memref<80x32xf32, #tpu.memory_space<hbm>>
      %dma_start3A_61 = arith.constant 0 : i32
      %dma_start3A_62 = tpu.memref_slice %arg4[%multiple_of3A_51, %dma_start3A_61] : memref<51200x32xf32, #tpu.memory_space<hbm>> -> memref<80x32xf32, #tpu.memory_space<hbm>>
      tpu.enqueue_dma source(%arg7 : memref<80x32xf32, #tpu.memory_space<vmem>>) target(%dma_start3A_62 : memref<80x32xf32, #tpu.memory_space<hbm>>) target_semaphore(%arg11 : memref<!tpu.dma_semaphore, #tpu.memory_space<semaphore_mem>>)
      %dma_wait3A_63 = arith.constant 0 : i32
      %dma_wait3A_64 = tpu.memref_slice %arg4[%multiple_of3A_51, %dma_wait3A_63] : memref<51200x32xf32, #tpu.memory_space<hbm>> -> memref<80x32xf32, #tpu.memory_space<hbm>>
      %dma_wait3A_65 = arith.constant 0 : i32
      %dma_wait3A_66 = tpu.memref_slice %arg4[%multiple_of3A_51, %dma_wait3A_65] : memref<51200x32xf32, #tpu.memory_space<hbm>> -> memref<80x32xf32, #tpu.memory_space<hbm>>
      tpu.wait_dma2 semaphore(%arg11 : memref<!tpu.dma_semaphore, #tpu.memory_space<semaphore_mem>>) src(%arg7 : memref<80x32xf32, #tpu.memory_space<vmem>>) dst(%dma_wait3A_66 : memref<80x32xf32, #tpu.memory_space<hbm>>)
      %lt3A_67 = arith.constant 9 : i32
      %lt3A_68 = arith.cmpi slt, %scan3A_19, %lt3A_67 : i32
      %convert_element_type3A_69 = arith.extui %lt3A_68 : i1 to i32
      %cond3A_70 = arith.constant 0 : i32
      %cond3A_71 = arith.cmpi ne, %convert_element_type3A_69, %cond3A_70 : i32
      scf.if %cond3A_71 {
        %add3A_72 = arith.constant 2 : i32
        %add3A_73 = arith.addi %add3A_47, %add3A_72 : i32
        %mul3A_74 = arith.constant 80 : i32
        %mul3A_75 = arith.muli %add3A_73, %mul3A_74 : i32
        %multiple_of3A_76 = tpu.assume_multiple %mul3A_75, 80 : i32
        %dma_start3A_77 = tpu.memref_slice %arg5[%multiple_of3A_76] : memref<1600xi32, #tpu.memory_space<vmem>> -> memref<80xi32, #tpu.memory_space<vmem>>
        %dma_start3A_78 = arith.constant 0 : i32
        %dma_start3A_79 = arith.constant 0 : i32
        %dma_start3A_80 = tpu.memref_slice %arg3[%dma_start3A_78, %dma_start3A_79] : memref<100000x32xf32, #tpu.memory_space<hbm>> -> memref<100000x32xf32, #tpu.memory_space<hbm>>
        tpu.enqueue_indirect_dma source(%dma_start3A_80 : memref<100000x32xf32, #tpu.memory_space<hbm>>) target(%arg7 : memref<80x32xf32, #tpu.memory_space<vmem>>) offsets(%dma_start3A_77 : memref<80xi32, #tpu.memory_space<vmem>>) semaphore(%arg9 : memref<!tpu.dma_semaphore, #tpu.memory_space<semaphore_mem>>)
      } else {
      }
    }
    %scan3A_18 = arith.constant 10 : i32
    return
  }
}

#map = affine_map<(d0, d1) -> (0)>
#map1 = affine_map<(d0, d1) -> (0, 0)>
module attributes {stable_mosaic.version = 14 : i64} {
  func.func @gather_kernel(%arg0: i32, %arg1: i32, %arg2: memref<25600xi32, #tpu.memory_space<hbm>>, %arg3: memref<100000x512xf32, #tpu.memory_space<hbm>>, %arg4: memref<25600x512xf32, #tpu.memory_space<hbm>>, %arg5: memref<800xi32, #tpu.memory_space<vmem>>, %arg6: memref<80x512xf32, #tpu.memory_space<vmem>>, %arg7: memref<80x512xf32, #tpu.memory_space<vmem>>, %arg8: memref<!tpu.dma_semaphore, #tpu.memory_space<semaphore_mem>>, %arg9: memref<!tpu.dma_semaphore, #tpu.memory_space<semaphore_mem>>, %arg10: memref<!tpu.dma_semaphore, #tpu.memory_space<semaphore_mem>>, %arg11: memref<!tpu.dma_semaphore, #tpu.memory_space<semaphore_mem>>) attributes {dimension_semantics = [#tpu.dimension_semantics<core_parallel>, #tpu.dimension_semantics<subcore_parallel>], iteration_bounds = array<i64: 2, 16>, scalar_prefetch = 0 : i64, scratch_operands = 7 : i64, tpu.core_type = #tpu.core_type<sc_vector_subcore>, window_params = [{transform_indices = #map}, {transform_indices = #map1}, {transform_indices = #map1}]} {
    %mul3A = arith.constant 2 : i32
    %mul3A_0 = arith.muli %arg1, %mul3A : i32
    %add3A = arith.addi %mul3A_0, %arg0 : i32
    %mul3A_1 = arith.constant 800 : i32
    %mul3A_2 = arith.muli %add3A, %mul3A_1 : i32
    %multiple_of3A = tpu.assume_multiple %mul3A_2, 800 : i32
    "tpu.region"() ({
      %run_scoped3A = tpu.sem_alloc : memref<!tpu.dma_semaphore, #tpu.memory_space<semaphore_mem>>
      %dma_start3A_19 = tpu.memref_slice %arg2[%multiple_of3A] : memref<25600xi32, #tpu.memory_space<hbm>> -> memref<800xi32, #tpu.memory_space<hbm>>
      %dma_start3A_20 = tpu.memref_slice %arg2[%multiple_of3A] : memref<25600xi32, #tpu.memory_space<hbm>> -> memref<800xi32, #tpu.memory_space<hbm>>
      tpu.enqueue_dma source(%dma_start3A_20 : memref<800xi32, #tpu.memory_space<hbm>>) target(%arg5 : memref<800xi32, #tpu.memory_space<vmem>>) target_semaphore(%run_scoped3A : memref<!tpu.dma_semaphore, #tpu.memory_space<semaphore_mem>>)
      %dma_wait3A = tpu.memref_slice %arg2[%multiple_of3A] : memref<25600xi32, #tpu.memory_space<hbm>> -> memref<800xi32, #tpu.memory_space<hbm>>
      %dma_wait3A_21 = tpu.memref_slice %arg2[%multiple_of3A] : memref<25600xi32, #tpu.memory_space<hbm>> -> memref<800xi32, #tpu.memory_space<hbm>>
      tpu.wait_dma2 semaphore(%run_scoped3A : memref<!tpu.dma_semaphore, #tpu.memory_space<semaphore_mem>>) src(%dma_wait3A_21 : memref<800xi32, #tpu.memory_space<hbm>>) dst(%arg5 : memref<800xi32, #tpu.memory_space<vmem>>)
      tpu.yield
    }) : () -> ()
    %multiple_of3A_3 = arith.constant 0 : i32
    %multiple_of3A_4 = tpu.assume_multiple %multiple_of3A_3, 80 : i32
    %dma_start3A = tpu.memref_slice %arg5[%multiple_of3A_4] : memref<800xi32, #tpu.memory_space<vmem>> -> memref<80xi32, #tpu.memory_space<vmem>>
    %dma_start3A_5 = arith.constant 0 : i32
    %dma_start3A_6 = arith.constant 0 : i32
    %dma_start3A_7 = tpu.memref_slice %arg3[%dma_start3A_5, %dma_start3A_6] : memref<100000x512xf32, #tpu.memory_space<hbm>> -> memref<100000x512xf32, #tpu.memory_space<hbm>>
    tpu.enqueue_indirect_dma source(%dma_start3A_7 : memref<100000x512xf32, #tpu.memory_space<hbm>>) target(%arg6 : memref<80x512xf32, #tpu.memory_space<vmem>>) offsets(%dma_start3A : memref<80xi32, #tpu.memory_space<vmem>>) semaphore(%arg8 : memref<!tpu.dma_semaphore, #tpu.memory_space<semaphore_mem>>)
    %multiple_of3A_8 = arith.constant 80 : i32
    %multiple_of3A_9 = tpu.assume_multiple %multiple_of3A_8, 80 : i32
    %dma_start3A_10 = tpu.memref_slice %arg5[%multiple_of3A_9] : memref<800xi32, #tpu.memory_space<vmem>> -> memref<80xi32, #tpu.memory_space<vmem>>
    %dma_start3A_11 = arith.constant 0 : i32
    %dma_start3A_12 = arith.constant 0 : i32
    %dma_start3A_13 = tpu.memref_slice %arg3[%dma_start3A_11, %dma_start3A_12] : memref<100000x512xf32, #tpu.memory_space<hbm>> -> memref<100000x512xf32, #tpu.memory_space<hbm>>
    tpu.enqueue_indirect_dma source(%dma_start3A_13 : memref<100000x512xf32, #tpu.memory_space<hbm>>) target(%arg7 : memref<80x512xf32, #tpu.memory_space<vmem>>) offsets(%dma_start3A_10 : memref<80xi32, #tpu.memory_space<vmem>>) semaphore(%arg9 : memref<!tpu.dma_semaphore, #tpu.memory_space<semaphore_mem>>)
    %scan3A = arith.constant 0 : i32
    %scan3A_14 = arith.constant 0 : i32
    %scan3A_15 = arith.constant 5 : i32
    %scan3A_16 = arith.addi %scan3A_14, %scan3A_15 : i32
    %scan3A_17 = arith.constant 1 : i32
    scf.for %scan3A_19 = %scan3A_14 to %scan3A_16 step %scan3A_17  : i32 {
      %mul3A_20 = arith.constant 2 : i32
      %mul3A_21 = arith.muli %scan3A_19, %mul3A_20 : i32
      %add3A_22 = arith.constant 0 : i32
      %add3A_23 = arith.addi %mul3A_21, %add3A_22 : i32
      %mul3A_24 = arith.constant 80 : i32
      %mul3A_25 = arith.muli %add3A_23, %mul3A_24 : i32
      %add3A_26 = arith.addi %mul3A_2, %mul3A_25 : i32
      %multiple_of3A_27 = tpu.assume_multiple %add3A_26, 80 : i32
      %mul3A_28 = arith.constant 80 : i32
      %mul3A_29 = arith.muli %add3A_23, %mul3A_28 : i32
      %multiple_of3A_30 = tpu.assume_multiple %mul3A_29, 80 : i32
      %dma_wait3A = tpu.memref_slice %arg5[%multiple_of3A_30] : memref<800xi32, #tpu.memory_space<vmem>> -> memref<80xi32, #tpu.memory_space<vmem>>
      %dma_wait3A_31 = arith.constant 0 : i32
      %dma_wait3A_32 = arith.constant 0 : i32
      %dma_wait3A_33 = tpu.memref_slice %arg3[%dma_wait3A_31, %dma_wait3A_32] : memref<100000x512xf32, #tpu.memory_space<hbm>> -> memref<100000x512xf32, #tpu.memory_space<hbm>>
      tpu.wait_indirect_dma semaphore(%arg8 : memref<!tpu.dma_semaphore, #tpu.memory_space<semaphore_mem>>) src(%dma_wait3A_33 : memref<100000x512xf32, #tpu.memory_space<hbm>>) dst(%arg6 : memref<80x512xf32, #tpu.memory_space<vmem>>)
      %dma_start3A_34 = arith.constant 0 : i32
      %dma_start3A_35 = tpu.memref_slice %arg4[%multiple_of3A_27, %dma_start3A_34] : memref<25600x512xf32, #tpu.memory_space<hbm>> -> memref<80x512xf32, #tpu.memory_space<hbm>>
      %dma_start3A_36 = arith.constant 0 : i32
      %dma_start3A_37 = tpu.memref_slice %arg4[%multiple_of3A_27, %dma_start3A_36] : memref<25600x512xf32, #tpu.memory_space<hbm>> -> memref<80x512xf32, #tpu.memory_space<hbm>>
      tpu.enqueue_dma source(%arg6 : memref<80x512xf32, #tpu.memory_space<vmem>>) target(%dma_start3A_37 : memref<80x512xf32, #tpu.memory_space<hbm>>) target_semaphore(%arg10 : memref<!tpu.dma_semaphore, #tpu.memory_space<semaphore_mem>>)
      %dma_wait3A_38 = arith.constant 0 : i32
      %dma_wait3A_39 = tpu.memref_slice %arg4[%multiple_of3A_27, %dma_wait3A_38] : memref<25600x512xf32, #tpu.memory_space<hbm>> -> memref<80x512xf32, #tpu.memory_space<hbm>>
      %dma_wait3A_40 = arith.constant 0 : i32
      %dma_wait3A_41 = tpu.memref_slice %arg4[%multiple_of3A_27, %dma_wait3A_40] : memref<25600x512xf32, #tpu.memory_space<hbm>> -> memref<80x512xf32, #tpu.memory_space<hbm>>
      tpu.wait_dma2 semaphore(%arg10 : memref<!tpu.dma_semaphore, #tpu.memory_space<semaphore_mem>>) src(%arg6 : memref<80x512xf32, #tpu.memory_space<vmem>>) dst(%dma_wait3A_41 : memref<80x512xf32, #tpu.memory_space<hbm>>)
      %lt3A = arith.constant 4 : i32
      %lt3A_42 = arith.cmpi slt, %scan3A_19, %lt3A : i32
      %convert_element_type3A = arith.extui %lt3A_42 : i1 to i32
      %cond3A = arith.constant 0 : i32
      %cond3A_43 = arith.cmpi ne, %convert_element_type3A, %cond3A : i32
      scf.if %cond3A_43 {
        %add3A_72 = arith.constant 2 : i32
        %add3A_73 = arith.addi %add3A_23, %add3A_72 : i32
        %mul3A_74 = arith.constant 80 : i32
        %mul3A_75 = arith.muli %add3A_73, %mul3A_74 : i32
        %multiple_of3A_76 = tpu.assume_multiple %mul3A_75, 80 : i32
        %dma_start3A_77 = tpu.memref_slice %arg5[%multiple_of3A_76] : memref<800xi32, #tpu.memory_space<vmem>> -> memref<80xi32, #tpu.memory_space<vmem>>
        %dma_start3A_78 = arith.constant 0 : i32
        %dma_start3A_79 = arith.constant 0 : i32
        %dma_start3A_80 = tpu.memref_slice %arg3[%dma_start3A_78, %dma_start3A_79] : memref<100000x512xf32, #tpu.memory_space<hbm>> -> memref<100000x512xf32, #tpu.memory_space<hbm>>
        tpu.enqueue_indirect_dma source(%dma_start3A_80 : memref<100000x512xf32, #tpu.memory_space<hbm>>) target(%arg6 : memref<80x512xf32, #tpu.memory_space<vmem>>) offsets(%dma_start3A_77 : memref<80xi32, #tpu.memory_space<vmem>>) semaphore(%arg8 : memref<!tpu.dma_semaphore, #tpu.memory_space<semaphore_mem>>)
      } else {
      }
      %mul3A_44 = arith.constant 2 : i32
      %mul3A_45 = arith.muli %scan3A_19, %mul3A_44 : i32
      %add3A_46 = arith.constant 1 : i32
      %add3A_47 = arith.addi %mul3A_45, %add3A_46 : i32
      %mul3A_48 = arith.constant 80 : i32
      %mul3A_49 = arith.muli %add3A_47, %mul3A_48 : i32
      %add3A_50 = arith.addi %mul3A_2, %mul3A_49 : i32
      %multiple_of3A_51 = tpu.assume_multiple %add3A_50, 80 : i32
      %mul3A_52 = arith.constant 80 : i32
      %mul3A_53 = arith.muli %add3A_47, %mul3A_52 : i32
      %multiple_of3A_54 = tpu.assume_multiple %mul3A_53, 80 : i32
      %dma_wait3A_55 = tpu.memref_slice %arg5[%multiple_of3A_54] : memref<800xi32, #tpu.memory_space<vmem>> -> memref<80xi32, #tpu.memory_space<vmem>>
      %dma_wait3A_56 = arith.constant 0 : i32
      %dma_wait3A_57 = arith.constant 0 : i32
      %dma_wait3A_58 = tpu.memref_slice %arg3[%dma_wait3A_56, %dma_wait3A_57] : memref<100000x512xf32, #tpu.memory_space<hbm>> -> memref<100000x512xf32, #tpu.memory_space<hbm>>
      tpu.wait_indirect_dma semaphore(%arg9 : memref<!tpu.dma_semaphore, #tpu.memory_space<semaphore_mem>>) src(%dma_wait3A_58 : memref<100000x512xf32, #tpu.memory_space<hbm>>) dst(%arg7 : memref<80x512xf32, #tpu.memory_space<vmem>>)
      %dma_start3A_59 = arith.constant 0 : i32
      %dma_start3A_60 = tpu.memref_slice %arg4[%multiple_of3A_51, %dma_start3A_59] : memref<25600x512xf32, #tpu.memory_space<hbm>> -> memref<80x512xf32, #tpu.memory_space<hbm>>
      %dma_start3A_61 = arith.constant 0 : i32
      %dma_start3A_62 = tpu.memref_slice %arg4[%multiple_of3A_51, %dma_start3A_61] : memref<25600x512xf32, #tpu.memory_space<hbm>> -> memref<80x512xf32, #tpu.memory_space<hbm>>
      tpu.enqueue_dma source(%arg7 : memref<80x512xf32, #tpu.memory_space<vmem>>) target(%dma_start3A_62 : memref<80x512xf32, #tpu.memory_space<hbm>>) target_semaphore(%arg11 : memref<!tpu.dma_semaphore, #tpu.memory_space<semaphore_mem>>)
      %dma_wait3A_63 = arith.constant 0 : i32
      %dma_wait3A_64 = tpu.memref_slice %arg4[%multiple_of3A_51, %dma_wait3A_63] : memref<25600x512xf32, #tpu.memory_space<hbm>> -> memref<80x512xf32, #tpu.memory_space<hbm>>
      %dma_wait3A_65 = arith.constant 0 : i32
      %dma_wait3A_66 = tpu.memref_slice %arg4[%multiple_of3A_51, %dma_wait3A_65] : memref<25600x512xf32, #tpu.memory_space<hbm>> -> memref<80x512xf32, #tpu.memory_space<hbm>>
      tpu.wait_dma2 semaphore(%arg11 : memref<!tpu.dma_semaphore, #tpu.memory_space<semaphore_mem>>) src(%arg7 : memref<80x512xf32, #tpu.memory_space<vmem>>) dst(%dma_wait3A_66 : memref<80x512xf32, #tpu.memory_space<hbm>>)
      %lt3A_67 = arith.constant 4 : i32
      %lt3A_68 = arith.cmpi slt, %scan3A_19, %lt3A_67 : i32
      %convert_element_type3A_69 = arith.extui %lt3A_68 : i1 to i32
      %cond3A_70 = arith.constant 0 : i32
      %cond3A_71 = arith.cmpi ne, %convert_element_type3A_69, %cond3A_70 : i32
      scf.if %cond3A_71 {
        %add3A_72 = arith.constant 2 : i32
        %add3A_73 = arith.addi %add3A_47, %add3A_72 : i32
        %mul3A_74 = arith.constant 80 : i32
        %mul3A_75 = arith.muli %add3A_73, %mul3A_74 : i32
        %multiple_of3A_76 = tpu.assume_multiple %mul3A_75, 80 : i32
        %dma_start3A_77 = tpu.memref_slice %arg5[%multiple_of3A_76] : memref<800xi32, #tpu.memory_space<vmem>> -> memref<80xi32, #tpu.memory_space<vmem>>
        %dma_start3A_78 = arith.constant 0 : i32
        %dma_start3A_79 = arith.constant 0 : i32
        %dma_start3A_80 = tpu.memref_slice %arg3[%dma_start3A_78, %dma_start3A_79] : memref<100000x512xf32, #tpu.memory_space<hbm>> -> memref<100000x512xf32, #tpu.memory_space<hbm>>
        tpu.enqueue_indirect_dma source(%dma_start3A_80 : memref<100000x512xf32, #tpu.memory_space<hbm>>) target(%arg7 : memref<80x512xf32, #tpu.memory_space<vmem>>) offsets(%dma_start3A_77 : memref<80xi32, #tpu.memory_space<vmem>>) semaphore(%arg9 : memref<!tpu.dma_semaphore, #tpu.memory_space<semaphore_mem>>)
      } else {
      }
    }
    %scan3A_18 = arith.constant 5 : i32
    return
  }
}

module attributes {stable_mosaic.version = 14 : i64} {
  func.func @body0(%arg0: i32, %arg1: i32, %arg2: memref<1x512x512xf32, #tpu.memory_space<vmem>>, %arg3: memref<1x512x512xf32, #tpu.memory_space<vmem>>) attributes {dimension_semantics = [#tpu.dimension_semantics<arbitrary>, #tpu.dimension_semantics<arbitrary>], iteration_bounds = array<i64: 25, 2>, scalar_prefetch = 0 : i64, scratch_operands = 0 : i64, tpu.core_type = #tpu.core_type<tc>, window_params = [{transform_indices = @transform_0, window_bounds = array<i64: 1, 512, 512>}, {transform_indices = @transform_1, window_bounds = array<i64: 1, 512, 512>}]} {
    %get3A = arith.constant 0 : index
    %get3A_0 = arith.constant 0 : index
    %get3A_1 = arith.constant 0 : index
    %get3A_2 = vector.load %arg2[%get3A, %get3A_0, %get3A_1] : memref<1x512x512xf32, #tpu.memory_space<vmem>>, vector<1x512x512xf32>
    %transpose3A = tpu.transpose %get3A_2, [0, 2, 1] : vector<1x512x512xf32> -> vector<1x512x512xf32>
    %swap3A = arith.constant 0 : index
    %swap3A_3 = arith.constant 0 : index
    %swap3A_4 = arith.constant 0 : index
    %swap3A_5 = vector.load %arg3[%swap3A, %swap3A_3, %swap3A_4] : memref<1x512x512xf32, #tpu.memory_space<vmem>>, vector<1x512x512xf32>
    tpu.vector_store %arg3[%swap3A, %swap3A_3, %swap3A_4], %transpose3A {strides = array<i32>} : memref<1x512x512xf32, #tpu.memory_space<vmem>>, vector<1x512x512xf32>,
    return
  }
  func.func @transform_0(%arg0: i32, %arg1: i32) -> (i32, i32, i32) {
    %c0_i32 = arith.constant 0 : i32
    %c0_i32_0 = arith.constant 0 : i32
    return %arg0, %arg1, %c0_i32 : i32, i32, i32
  }
  func.func @transform_1(%arg0: i32, %arg1: i32) -> (i32, i32, i32) {
    %c0_i32 = arith.constant 0 : i32
    %c0_i32_0 = arith.constant 0 : i32
    return %arg0, %c0_i32, %arg1 : i32, i32, i32
  }
}

module attributes {stable_mosaic.version = 14 : i64} {
  func.func @body(%arg0: i32, %arg1: i32, %arg2: memref<1x512x32xf32, #tpu.memory_space<vmem>>, %arg3: memref<1x32x512xf32, #tpu.memory_space<vmem>>) attributes {dimension_semantics = [#tpu.dimension_semantics<arbitrary>, #tpu.dimension_semantics<arbitrary>], iteration_bounds = array<i64: 50, 2>, scalar_prefetch = 0 : i64, scratch_operands = 0 : i64, tpu.core_type = #tpu.core_type<tc>, window_params = [{transform_indices = @transform_0, window_bounds = array<i64: 1, 512, 32>}, {transform_indices = @transform_1, window_bounds = array<i64: 1, 32, 512>}]} {
    %get3A = arith.constant 0 : index
    %get3A_0 = arith.constant 0 : index
    %get3A_1 = arith.constant 0 : index
    %get3A_2 = vector.load %arg2[%get3A, %get3A_0, %get3A_1] : memref<1x512x32xf32, #tpu.memory_space<vmem>>, vector<1x512x32xf32>
    %transpose3A = tpu.transpose %get3A_2, [0, 2, 1] : vector<1x512x32xf32> -> vector<1x32x512xf32>
    %swap3A = arith.constant 0 : index
    %swap3A_3 = arith.constant 0 : index
    %swap3A_4 = arith.constant 0 : index
    %swap3A_5 = vector.load %arg3[%swap3A, %swap3A_3, %swap3A_4] : memref<1x32x512xf32, #tpu.memory_space<vmem>>, vector<1x32x512xf32>
    tpu.vector_store %arg3[%swap3A, %swap3A_3, %swap3A_4], %transpose3A {strides = array<i32>} : memref<1x32x512xf32, #tpu.memory_space<vmem>>, vector<1x32x512xf32>,
    return
  }
  func.func @transform_0(%arg0: i32, %arg1: i32) -> (i32, i32, i32) {
    %c0_i32 = arith.constant 0 : i32
    %c0_i32_0 = arith.constant 0 : i32
    return %arg0, %arg1, %c0_i32 : i32, i32, i32
  }
  func.func @transform_1(%arg0: i32, %arg1: i32) -> (i32, i32, i32) {
    %c0_i32 = arith.constant 0 : i32
    %c0_i32_0 = arith.constant 0 : i32
    return %arg0, %c0_i32, %arg1 : i32, i32, i32
  }
}

module attributes {stable_mosaic.version = 14 : i64} {
  func.func @body1(%arg0: i32, %arg1: i32, %arg2: memref<50x512x1024xf32, #tpu.memory_space<any>>, %arg3: memref<1x512x512xf32, #tpu.memory_space<vmem>>, %arg4: memref<1x512x512xf32, #tpu.memory_space<vmem>>) attributes {dimension_semantics = [#tpu.dimension_semantics<arbitrary>, #tpu.dimension_semantics<arbitrary>], iteration_bounds = array<i64: 25, 2>, scalar_prefetch = 0 : i64, scratch_operands = 0 : i64, tpu.core_type = #tpu.core_type<tc>, window_params = [{}, {transform_indices = @transform_1, window_bounds = array<i64: 1, 512, 512>}, {transform_indices = @transform_2, window_bounds = array<i64: 1, 512, 512>}]} {
    %get3A = arith.constant 0 : index
    %get3A_0 = arith.constant 0 : index
    %get3A_1 = arith.constant 0 : index
    %get3A_2 = vector.load %arg3[%get3A, %get3A_0, %get3A_1] : memref<1x512x512xf32, #tpu.memory_space<vmem>>, vector<1x512x512xf32>
    %transpose3A = tpu.transpose %get3A_2, [0, 2, 1] : vector<1x512x512xf32> -> vector<1x512x512xf32>
    %swap3A = arith.constant 0 : index
    %swap3A_3 = arith.constant 0 : index
    %swap3A_4 = arith.constant 0 : index
    %swap3A_5 = vector.load %arg4[%swap3A, %swap3A_3, %swap3A_4] : memref<1x512x512xf32, #tpu.memory_space<vmem>>, vector<1x512x512xf32>
    tpu.vector_store %arg4[%swap3A, %swap3A_3, %swap3A_4], %transpose3A {strides = array<i32>} : memref<1x512x512xf32, #tpu.memory_space<vmem>>, vector<1x512x512xf32>,
    return
  }
  func.func @transform_1(%arg0: i32, %arg1: i32) -> (i32, i32, i32) {
    %c0_i32 = arith.constant 0 : i32
    %c0_i32_0 = arith.constant 0 : i32
    return %arg0, %arg1, %c0_i32 : i32, i32, i32
  }
  func.func @transform_2(%arg0: i32, %arg1: i32) -> (i32, i32, i32) {
    %add3A = arith.constant 25 : i32
    %add3A_0 = arith.addi %arg0, %add3A : i32
    %c0_i32 = arith.constant 0 : i32
    %c0_i32_1 = arith.constant 0 : i32
    return %add3A_0, %c0_i32, %arg1 : i32, i32, i32
  }
}

</mosaic_0001>

<sc_bundles>
// kernel: kernel.11.cloned.1.call-start
scs
__scs_entry_jumppad:
0x0: {  	(pc) =	sbr.rel $0x88, $3  }
0x1: {  	(tag) =	ssettag $0x0;
	lr =	simm.s32 $0x1  }
0x2: {  	[smem:$0x3F9E] =	sst lr;
	_ =	strace $0xD0000000  }
0x3: {  	_ = 	snop  }
0x4: {  	_ = 	snop  }
0x5: {  	_ = 	snop  }
0x6: {  	_ = 	snop  }
0x7: {  	_ = 	snop  }
__scs_overlays_trampoline_lowered:
0x8: {  	[smem:$0x3FAD] =	sst s0  }
0x9: {  	[smem:$0x3FAE] =	sst s1  }
0xa: {  	[smem:$0x3FAF] =	sst s2  }
0xb: {  	[smem:$0x3FB0] =	sst s3  }
0xc: {  	[smem:$0x3FB1] =	sst s4  }
0xd: {  	[smem:$0x3FB2] =	sst s5  }
0xe: {  	[smem:$0x3FB3] =	sst s6  }
0xf: {  	[smem:$0x3FB4] =	sst s7  }
0x10: {  	[smem:$0x3FB5] =	sst s8  }
0x11: {  	[smem:$0x3FB6] =	sst s9;
	s0 =	simm.s32 @!p0 $0x0  }
0x12: {  	s1 =	sld [smem:$0x3F9C];
	s0 =	simm.s32 @p0 $0x1  }
0x13: {  	[smem:$0x3FB7] =	sst s0;
	s0 =	simm.s32 @!p1 $0x0  }
0x14: {  	s2 =	sld [smem:$0x3F9B];
	s0 =	simm.s32 @p1 $0x1  }
0x15: {  	[smem:$0x3FB8] =	sst s0;
	s0 =	simm.s32 @!p2 $0x0  }
0x16: {  	s3 =	sld [smem:$0x3FDB];
	s0 =	simm.s32 @p2 $0x1  }
0x17: {  	s4 =	simm.s32 $0x1BF5;
	[smem:$0x3FBA] =	sst s0  }
0x18: {  	s0 =	sld [smem:$0x3F9D];
	_ =	swait.ge [sflag:s4], $0x0  }
0x19: {  	s7 =	sld [smem:$0x3F9E]  }
0x1a: {  	s8 =	sadd.s32 $0xFFFFE003, lr  }
0x1b: {  	s9 =	sadd.s32 $0xFFFFFEF7, lr;
	s5 =	simm.s32 $0xFFFFFFFF;
	p2 =	slt.u32 s8, $0xFFFFF086  }
0x1c: {  	p1 =	slt.u32 s9, $0xF7A;
	s5 =	simm.s32 @!p2 $0x0  }
0x1d: {  	s5 =	simm.s32 @p1 $0x1;
	p0 =	seq.s32 s7, s2  }
0x1e: {  	s7 =	smul.u32 @!p0 $0xF7A, s2;
	p2 =	seq.s32 @!p0 s5, $0x0  }
0x1f: {  	s9 =	smul.u32 $0xF7A, s1;
	s8 =	simm.s32 @!p0 $0x1BF5;
	p2 =	por !p2, p0  }
0x20: {  	[sflag:s8] =	ssyncset.s32 @!p0 $0xFFFFF086;
	s6 =	sadd.s32 @!p0 s3, s7;
	s7 =	simm.s32 @!p0 $0x108  }
0x21: {  	s3 =	sadd.s32 s3, s9;
	s6 =	sadd.s32 @!p0 $0x88, s6;
	s7 =	simm.s32 @p2 $0x1082  }
0x22: {  	[simem:s7], [sflag:s8] =	dma.local @!p0 [hbm:s6], $0xF7A  }
0x23: {  	s9 =	sor.u32 $0xD0000000, s2;
	s6 =	simm.s32 $0x108;
	_ =	swait.ge @!p0 [sflag:s8], $0x0  }
0x24: {  	s3 =	sadd.s32 $0x88, s3;
	s6 =	simm.s32 @!p1 $0x1082;
	[sflag:s4] =	ssyncset.s32 $0xFFFFF086  }
0x25: {  	[simem:s6], [sflag:s4] =	dma.local [hbm:s3], $0xF7A  }
0x26: {  	[smem:$0x3F9E] =	sst s1;
	(tag) =	ssettag s2;
	_ =	strace s9  }
0x27: {  	s1 =	sld [smem:$0x3FAE]  }
0x28: {  	s2 =	sld [smem:$0x3FAF]  }
0x29: {  	s4 =	sld [smem:$0x3FB1]  }
0x2a: {  	p0 =	seq.s32 s5, $0x0;
	s5 =	sld [smem:$0x3FB2]  }
0x2b: {  	s6 =	sld [smem:$0x3FB3]  }
0x2c: {  	s7 =	sld [smem:$0x3FB4]  }
0x2d: {  	s3 =	simm.s32 $0x108;
	s8 =	sld [smem:$0x3FB5]  }
0x2e: {  	s3 =	simm.s32 @!p0 $0x1082;
	s9 =	sld [smem:$0x3FB6]  }
0x2f: {  	lr =	sadd.s32 s0, s3;
	s0 =	sld [smem:$0x3FAD]  }
0x30: {  	s3 =	sld [smem:$0x3FB0]  }
0x31: {  	[smem:$0x3FB9] =	sst s10  }
0x32: {  	s10 =	sld [smem:$0x3FB7];
	_ =	sdelay $0x3  }
0x33: {  	p0 =	seq.s32 s10, $0x1;
	s10 =	sld [smem:$0x3FB9];
	_ =	sdelay $0x3  }
0x34: {  	[smem:$0x3FB9] =	sst s10  }
0x35: {  	s10 =	sld [smem:$0x3FB8];
	_ =	sdelay $0x3  }
0x36: {  	p1 =	seq.s32 s10, $0x1;
	s10 =	sld [smem:$0x3FB9];
	_ =	sdelay $0x3  }
0x37: {  	[smem:$0x3FB9] =	sst s10  }
0x38: {  	s10 =	sld [smem:$0x3FBA]  }
0x39: {  	_ = 	snop;
	(pc) =	sbr.ind lr, $3  }
0x3a: {  	_ = 	snop  }
0x3b: {  	_ = 	snop  }
0x3c: {  	p2 =	seq.s32 s10, $0x1;
	s10 =	sld [smem:$0x3FB9]  }
0x3d: {  	_ =	shalt  }
0x3e: {  	_ =	shalt  }
0x3f: {  	_ =	shalt  }
0x40: {  	_ =	shalt  }
0x41: {  	_ =	shalt  }
0x42: {  	_ =	shalt  }
0x43: {  	_ =	shalt  }
0x44: {  	_ =	shalt  }
0x45: {  	_ =	shalt  }
0x46: {  	_ =	shalt  }
0x47: {  	_ =	shalt  }
0x48: {  	_ =	shalt  }
0x49: {  	_ =	shalt  }
0x4a: {  	_ =	shalt  }
0x4b: {  	_ =	shalt  }
0x4c: {  	_ =	shalt  }
0x4d: {  	_ =	shalt  }
0x4e: {  	_ =	shalt  }
0x4f: {  	_ =	shalt  }
0x50: {  	_ =	shalt  }
0x51: {  	_ =	shalt  }
0x52: {  	_ =	shalt  }
0x53: {  	_ =	shalt  }
0x54: {  	_ =	shalt  }
0x55: {  	_ =	shalt  }
0x56: {  	_ =	shalt  }
0x57: {  	_ =	shalt  }
0x58: {  	_ =	shalt  }
0x59: {  	_ =	shalt  }
0x5a: {  	_ =	shalt  }
0x5b: {  	_ =	shalt  }
0x5c: {  	_ =	shalt  }
0x5d: {  	_ =	shalt  }
0x5e: {  	_ =	shalt  }
0x5f: {  	_ =	shalt  }
0x60: {  	_ =	shalt  }
0x61: {  	_ =	shalt  }
0x62: {  	_ =	shalt  }
0x63: {  	_ =	shalt  }
0x64: {  	_ =	shalt  }
0x65: {  	_ =	shalt  }
0x66: {  	_ =	shalt  }
0x67: {  	_ =	shalt  }
0x68: {  	_ =	shalt  }
0x69: {  	_ =	shalt  }
0x6a: {  	_ =	shalt  }
0x6b: {  	_ =	shalt  }
0x6c: {  	_ =	shalt  }
0x6d: {  	_ =	shalt  }
0x6e: {  	_ =	shalt  }
0x6f: {  	_ =	shalt  }
0x70: {  	_ =	shalt  }
0x71: {  	_ =	shalt  }
0x72: {  	_ =	shalt  }
0x73: {  	_ =	shalt  }
0x74: {  	_ =	shalt  }
0x75: {  	_ =	shalt  }
0x76: {  	_ =	shalt  }
0x77: {  	_ =	shalt  }
0x78: {  	_ =	shalt  }
0x79: {  	_ =	shalt  }
0x7a: {  	_ =	shalt  }
0x7b: {  	_ =	shalt  }
0x7c: {  	_ =	shalt  }
0x7d: {  	_ =	shalt  }
0x7e: {  	_ =	shalt  }
0x7f: {  	_ =	shalt  }
0x80: {  	_ =	shalt  }
0x81: {  	_ =	shalt  }
0x82: {  	_ =	shalt  }
0x83: {  	_ =	shalt  }
0x84: {  	_ =	shalt  }
0x85: {  	_ =	shalt  }
0x86: {  	_ =	shalt  }
0x87: {  	_ =	shalt  }
.Lfunc_end0:
.L_simem_size_0:
called_computation.1_lowered:
.L_overlay_start_0:
0x88: {  	s2 =	sld [smem:$0x3FD9]  }
0x89: {  	s3 =	sld [smem:$0x3FFE];
	_ =	sdelay $0x1  }
0x8a: {  	s1 =	srdreg.scid  }
0x8b: {  	s0 =	sand.u32 $0x1, s1  }
0x8c: {  	s17 =	sshll.u32 s0, $0xA;
	s2 =	sadd.s32 s3, s2  }
0x8d: {  	s2 =	sadd.s32 s2, s17  }
0x8e: {  	[smem:$0x3FC5] =	sst s2  }
0x8f: {  	_ = 	snop  }
0x90: {  	s18 =	sld [smem:$0x3FC7];
	(tm) =	ssettm $0x1  }
0x91: {  	s19 =	sld [smem:$0x3FFB];
	_ =	sdelay $0x3  }
0x92: {  	_ =	strace s19  }
0x93: {  	s2 =	sld [smem:$0x3FFC];
	_ =	sdelay $0x3  }
0x94: {  	_ =	strace s2  }
0x95: {  	s2 =	sld [smem:$0x3FFD];
	_ =	sdelay $0x3  }
0x96: {  	_ =	strace s2  }
0x97: {  	_ =	strace $0x8FFFFFFF  }
0x98: {  	s20 =	sld [smem:$0x3FDB];
	_ =	sdelay $0x1  }
0x99: {  	s4 =	simm.s32 $_scs_section_size  }
0x9a: {  	s5 =	simm.s32 $_size__tile_overlayer_lowered;
	s6 =	simm.s32 $_tile_overlayer_lowered  }
0x9b: {  	s7 =	simm.s32 $0x1BFF;
	s21 =	sshll.u32 s6, $0x1;
	s4 =	sadd.s32 s4, s20  }
0x9c: {  	s22 =	simm.s32 $0x0;
	s5 =	sshll.u32 s5, $0x1;
	s6 =	sadd.s32 s21, s4  }
0x9d: {  	[timem:s22], [sflag:s7] =	dma.local [hbm:s6], s5  }
0x9e: {  	_ =	swait.ge [sflag:s7], s5  }
0x9f: {  	s5 =	ssub.s32 $0x0, s5;
	[sflag:s7] =	ssyncset.done $0x0  }
0xa0: {  	[sflag:s7] =	ssyncadd.s32 s5;
	_ =	sdelay $0x1  }
0xa1: {  	s23 =	simm.s32 $0x1B8B  }
0xa2: {  	_ =	swait.ge [sflag:s23], $0x1  }
0xa3: {  	[sflag:s23] =	ssyncset.done $0x0  }
0xa4: {  	[sflag:s23] =	ssyncadd.s32 $0xFFFFFFFF  }
0xa5: {  	s5 =	sld [smem:$0x0]  }
0xa6: {  	s6 =	sand.u32 $0xFFFFFFFE, s1  }
0xa7: {  	p0 =	sne.s32 s1, s6  }
0xa8: {  	s6 =	sshll.u32 @p0 s6, $0xE  }
0xa9: {  	s6 =	sadd.s32 @p0 $0x11B8D, s6;
	s7 =	sshll.u32 @p0 s5, $0x11  }
0xaa: {  	s6 =	sor.u32 @p0 s7, s6  }
0xab: {  	[sflag:s6] =	ssyncadd.remote.s32 @p0 $0x1;
	_ =	sdelay $0x1  }
0xac: {  	s6 =	simm.s32 @p0 $0x1B8D  }
0xad: {  	_ =	swait.eq @p0 [sflag:s6], $0x1  }
0xae: {  	[sflag:s6] =	ssyncadd.s32 @p0 $0xFFFFFFFF  }
0xaf: {  	s7 =	sshll.u32 @!p0 s1, $0xE  }
0xb0: {  	s7 =	sor.u32 @!p0 $0x4000, s7;
	s6 =	simm.s32 @!p0 $0x1B8D  }
0xb1: {  	s5 =	sshll.u32 @!p0 s5, $0x11;
	s7 =	sadd.s32 @!p0 $0x11B8D, s7;
	_ =	swait.eq @!p0 [sflag:s6], $0x1  }
0xb2: {  	s5 =	sor.u32 @!p0 s5, s7;
	[sflag:s6] =	ssyncadd.s32 @!p0 $0xFFFFFFFF  }
0xb3: {  	s25 =	simm.s32 $0x1B8E;
	s24 =	sld [smem:$0x3FFE];
	[sflag:s5] =	ssyncadd.remote.s32 @!p0 $0x1  }
0xb4: {  	s26 =	simm.s32 $execute0_lowered;
	[smem:$0x3FD2] =	sst s25  }
0xb5: {  	s6 =	sshll.u32 s26, $0x1;
	_ =	strace $0x8000004C;
	[dreg:$0x1] =	wrdreg $0xFFFFFFFF  }
0xb6: {  	s28 =	simm.s32 $_size_execute0_lowered;
	s4 =	sadd.s32 s4, s6;
	[dreg:$0x0] =	wrdreg $0x0  }
0xb7: {  	s6 =	sshll.u32 s28, $0x1;
	[dreg:$0x2] =	wrdreg s4  }
0xb8: {  	[dreg:$0x3] =	wrdreg s6  }
0xb9: {  	[dreg:$0x4] =	wrdreg $0xC0  }
0xba: {  	_ =	task [dreg:s22], $0x5FFFF  }
0xbb: {  	[dreg:$0x1] =	wrdreg $0xFFFFFFFF  }
0xbc: {  	[dreg:$0x0] =	wrdreg $0x60  }
0xbd: {  	[dreg:$0x2] =	wrdreg s24  }
0xbe: {  	[dreg:$0x3] =	wrdreg s18  }
0xbf: {  	[dreg:$0x4] =	wrdreg $0xA  }
0xc0: {  	_ =	task.clear_ibuf [dreg:s22], $0x5FFFF;
	_ =	strace $0x9000004C  }
0xc1: {  	s29 =	simm.s32 $0xA;
	_ =	strace $0x8000004E  }
0xc2: {  	_ =	swait.ge [sflag:s29], $0x1  }
0xc3: {  	[sflag:s29] =	ssyncadd.s32 $0xFFFFFFFF  }
0xc4: {  	_ =	strace $0x9000004E  }
0xc5: {  	_ =	sfence  }
0xc6: {  	s30 =	sld [smem:$0x0];
	_ =	sdelay $0x2  }
0xc7: {  	s31 =	sshll.u32 s1, $0xD;
	s1 =	sshrl.u32 s1, $0x2  }
0xc8: {  	s4 =	sand.u32 $0x4000, s31;
	s1 =	sadd.s32 s1, s30  }
0xc9: {  	s0 =	sor.u32 s4, s0;
	s1 =	sshll.u32 s1, $0x11  }
0xca: {  	s0 =	sor.u32 s1, s0  }
0xcb: {  	s0 =	sadd.s32 $0x8F2B, s0  }
0xcc: {  	[sflag:s0] =	ssyncadd.remote.s32 $0x1  }
0xcd: {  	_ =	sfence.sel $0xFFFF  }
0xce: {  	[dreg:$0x0] =	wrdreg $0xFFFFFFFF;
	(pc) =	sbr.abs _section_cstart, $3  }
0xcf: {  	[dreg:$0x1] =	wrdreg $0xFFFFFFFF  }
0xd0: {  	_ =	task.clear_ibuf [dreg:s22], $0x2FFFF;
	_ =	strace $0x9FFFFFFF  }
0xd1: {  	(tm) =	ssettm $0x7FFFFFFF  }
tec
execute0_lowered:
.L_overlay_start_1:
0x0: {  	(tag) =	ssettag $0x1  }
0x1: {  	s0 =	rddreg [dreg:$0x0]  }
0x2: {  	s1 =	srdreg.scid;
	s5 =	stileid.u32  }
0x3: {  	s2 =	rddreg [dreg:$0x1];
	s3 =	simm.s32 $0x0;
	s9 =	simm.s32 $0x380  }
0x4: {  	s30 =	simm.s32 $0xA380;
	s8 =	simm.s32 $0xD380;
	s10 =	simm.s32 $0xDB80  }
0x5: {  	s11 =	simm.s32 $0xE380;
	s12 =	simm.s32 $0xEB80;
	s13 =	simm.s32 $0xF380  }
0x6: {  	s14 =	simm.s32 $0xFB80;
	s15 =	simm.s32 $0x10380;
	s16 =	simm.s32 $0x10B80  }
0x7: {  	s17 =	simm.s32 $0x11380;
	s18 =	simm.s32 $0x11B80;
	s19 =	simm.s32 $0x12380  }
0x8: {  	s20 =	simm.s32 $0x12B80;
	s21 =	simm.s32 $0x13380;
	s22 =	simm.s32 $0x13B80  }
0x9: {  	s23 =	simm.s32 $0x1;
	s24 =	simm.s32 $0x3;
	s25 =	simm.s32 $0x2  }
0xa: {  	s26 =	simm.s32 $0x4;
	s1 =	sand.u32 $0x1, s1;
	s4 =	sshll.u32 s5, $0x1  }
0xb: {  	s5 =	smul.u32 $0x19000, s5;
	s4 =	sor.u32 s1, s4;
	s6 =	ssub.s32 $0x2, s1  }
0xc: {  	[smem:$0x7FF] =	sst s3;
	s4 =	smul.u32 $0x320, s4;
	s7 =	sshrl.u32 s6, $0x1  }
0xd: {  	_ =	strace $0x8000004D;
	s1 =	smul.u32 $0xC800, s1;
	s6 =	ssub.s32 s6, s7  }
.Ltmp0:
0xe: {  	s4 =	sshrl.u32 s4, $0x3;
	s31 =	smax.u32 s6, $0x1;
	(pc) =	sbr.rel .LBB2_1-.Ltmp0, $4  }
0xf: {  	s6 =	simm.s32 $0xCB80;
	s4 =	sadd.s32 s4, s0;
	s0 =	sadd.s32 s5, s0  }
0x10: {  	v2 =	vlaneseq.u32;
	s5 =	sadd.s32 $0x100, s2;
	[dreg:$0x4] =	wrdreg s31;
	s4 =	sadd.s32 $0x1F5600, s4  }
0x11: {  	vm0 =	vmmov $0xffff;
	v1 =	vshrl.u32 v2, $0x3;
	s0 =	sadd.s32 s1, s0;
	s1 =	simm.s32 $0x0;
	[dreg:$0x3] =	wrdreg s4  }
0x12: {  	v0 =	vand.u32 $0x7, v2;
	v2 =	vor.u32 $0x8, v2;
	v1 =	vmul.u32 $0x8, v1;
	s7 =	sadd.s32 $0x1F6400, s0;
	s0 =	simm.s32 $0xBB80;
	s4 =	simm.s32 $0xC380  }
.LBB2_6:
0x13: {  	s1 =	rddreg [dreg:$0x5]  }
0x14: {  	s28 =	rddreg [dreg:$0x4];
	s1 =	sadd.s32 $0x1, s1  }
0x15: {  	p0 =	sne.s32 s1, s28  }
.Ltmp1:
0x16: {  	_ = 	snop;
	(pc) =	sbr.rel @!p0 .LBB2_7-.Ltmp1, $1  }
0x17: {  	_ =	sdelay $0x3  }
.LBB2_1:
0x18: {  	s28 =	rddreg [dreg:$0x3]  }
0x19: {  	[tilespmem:s3], [sflag:$0x5] =	stream.linear.gather [hbm4b:s28+s3], $0x320, $0x38;
	[tilespmem:$0x14380] =	vst v63  }
0x1a: {  	[dreg:$0x5] =	wrdreg s1;
	s28 =	simm.s32 $0x5  }
0x1b: {  	_ =	swait.ge [sflag:s28], $0x320  }
0x1c: {  	[sflag:s28] =	ssyncset.done $0x0  }
0x1d: {  	[sflag:s28] =	ssyncadd.s32 $0xFFFFFCE0  }
0x1e: {  	v3 =	vld [tilespmem:$0x0];
	_ =	sdelay $0x4  }
0x1f: {  	v4 =	vshll.u32 v3, $0x2  }
0x20: {  	v3 =	vand.u32 $0x7, v3;
	v4 =	vand.u32 $0xFFFFFFE0, v4  }
0x21: {  	v3 =	vor.u32 v3, v4  }
0x22: {  	v4 =	vperm.xlane v3, v0;
	_ =	sdelay $0x1  }
0x23: {  	v4 =	vadd.s32 v1, v4;
	_ =	sdelay $0x1  }
0x24: {  	v3 =	vperm.xlane v3, v2;
	_ =	sdelay $0x1  }
0x25: {  	v3 =	vadd.s32 v1, v3  }
0x26: {  	[tilespmem:s9], [sflag:$0x1] =	stream.indirect_vreg.gather [hbm4b:s2+s3], $0x80, v4, vm0, $0xb8;
	[tilespmem:$0x14380] =	vst v63  }
0x27: {  	s28 =	simm.s32 $0xB80  }
0x28: {  	[tilespmem:s28], [sflag:$0x1] =	stream.indirect_vreg.gather [hbm4b:s5+s3], $0x80, v4, vm0, $0xb8;
	[tilespmem:$0x14380] =	vst v63  }
0x29: {  	s31 =	simm.s32 $0x1380  }
0x2a: {  	[tilespmem:s31], [sflag:$0x1] =	stream.indirect_vreg.gather [hbm4b:s2+s3], $0x80, v3, vm0, $0xb8;
	[tilespmem:$0x14380] =	vst v63  }
0x2b: {  	s31 =	simm.s32 $0x1B80  }
0x2c: {  	[tilespmem:s31], [sflag:$0x1] =	stream.indirect_vreg.gather [hbm4b:s5+s3], $0x80, v3, vm0, $0xb8;
	[tilespmem:$0x14380] =	vst v63  }
0x2d: {  	v3 =	vld [tilespmem:$0x10];
	_ =	sdelay $0x4  }
0x2e: {  	v55 =	vshll.u32 v3, $0x2  }
0x2f: {  	v3 =	vand.u32 $0x7, v3;
	v4 =	vand.u32 $0xFFFFFFE0, v55  }
0x30: {  	v3 =	vor.u32 v3, v4  }
0x31: {  	v4 =	vperm.xlane v3, v0;
	_ =	sdelay $0x1  }
0x32: {  	v4 =	vadd.s32 v1, v4;
	_ =	sdelay $0x1  }
0x33: {  	v3 =	vperm.xlane v3, v2;
	_ =	sdelay $0x1  }
0x34: {  	s31 =	simm.s32 $0x2380;
	v3 =	vadd.s32 v1, v3  }
0x35: {  	[tilespmem:s31], [sflag:$0x1] =	stream.indirect_vreg.gather [hbm4b:s2+s3], $0x80, v4, vm0, $0xb8;
	[tilespmem:$0x14380] =	vst v63  }
0x36: {  	s31 =	simm.s32 $0x2B80  }
0x37: {  	[tilespmem:s31], [sflag:$0x1] =	stream.indirect_vreg.gather [hbm4b:s5+s3], $0x80, v4, vm0, $0xb8;
	[tilespmem:$0x14380] =	vst v63  }
0x38: {  	s31 =	simm.s32 $0x3380  }
0x39: {  	[tilespmem:s31], [sflag:$0x1] =	stream.indirect_vreg.gather [hbm4b:s2+s3], $0x80, v3, vm0, $0xb8;
	[tilespmem:$0x14380] =	vst v63  }
0x3a: {  	s31 =	simm.s32 $0x3B80  }
0x3b: {  	[tilespmem:s31], [sflag:$0x1] =	stream.indirect_vreg.gather [hbm4b:s5+s3], $0x80, v3, vm0, $0xb8;
	[tilespmem:$0x14380] =	vst v63  }
0x3c: {  	v3 =	vld [tilespmem:$0x20];
	_ =	sdelay $0x4  }
0x3d: {  	v56 =	vshll.u32 v3, $0x2  }
0x3e: {  	v3 =	vand.u32 $0x7, v3;
	v4 =	vand.u32 $0xFFFFFFE0, v56  }
0x3f: {  	v3 =	vor.u32 v3, v4  }
0x40: {  	v4 =	vperm.xlane v3, v0;
	_ =	sdelay $0x1  }
0x41: {  	v4 =	vadd.s32 v1, v4;
	_ =	sdelay $0x1  }
0x42: {  	v3 =	vperm.xlane v3, v2;
	_ =	sdelay $0x1  }
0x43: {  	s31 =	simm.s32 $0x4380;
	v3 =	vadd.s32 v1, v3  }
0x44: {  	[tilespmem:s31], [sflag:$0x1] =	stream.indirect_vreg.gather [hbm4b:s2+s3], $0x80, v4, vm0, $0xb8;
	[tilespmem:$0x14380] =	vst v63  }
0x45: {  	s31 =	simm.s32 $0x4B80  }
0x46: {  	[tilespmem:s31], [sflag:$0x1] =	stream.indirect_vreg.gather [hbm4b:s5+s3], $0x80, v4, vm0, $0xb8;
	[tilespmem:$0x14380] =	vst v63  }
0x47: {  	s31 =	simm.s32 $0x5380  }
0x48: {  	[tilespmem:s31], [sflag:$0x1] =	stream.indirect_vreg.gather [hbm4b:s2+s3], $0x80, v3, vm0, $0xb8;
	[tilespmem:$0x14380] =	vst v63  }
0x49: {  	s31 =	simm.s32 $0x5B80  }
0x4a: {  	[tilespmem:s31], [sflag:$0x1] =	stream.indirect_vreg.gather [hbm4b:s5+s3], $0x80, v3, vm0, $0xb8;
	[tilespmem:$0x14380] =	vst v63  }
0x4b: {  	v3 =	vld [tilespmem:$0x30];
	_ =	sdelay $0x4  }
0x4c: {  	v57 =	vshll.u32 v3, $0x2  }
0x4d: {  	v3 =	vand.u32 $0x7, v3;
	v4 =	vand.u32 $0xFFFFFFE0, v57  }
0x4e: {  	v3 =	vor.u32 v3, v4  }
0x4f: {  	v4 =	vperm.xlane v3, v0;
	_ =	sdelay $0x1  }
0x50: {  	v4 =	vadd.s32 v1, v4;
	_ =	sdelay $0x1  }
0x51: {  	v3 =	vperm.xlane v3, v2;
	_ =	sdelay $0x1  }
0x52: {  	s31 =	simm.s32 $0x6380;
	v3 =	vadd.s32 v1, v3  }
0x53: {  	[tilespmem:s31], [sflag:$0x1] =	stream.indirect_vreg.gather [hbm4b:s2+s3], $0x80, v4, vm0, $0xb8;
	[tilespmem:$0x14380] =	vst v63  }
0x54: {  	s31 =	simm.s32 $0x6B80  }
0x55: {  	[tilespmem:s31], [sflag:$0x1] =	stream.indirect_vreg.gather [hbm4b:s5+s3], $0x80, v4, vm0, $0xb8;
	[tilespmem:$0x14380] =	vst v63  }
0x56: {  	s31 =	simm.s32 $0x7380  }
0x57: {  	[tilespmem:s31], [sflag:$0x1] =	stream.indirect_vreg.gather [hbm4b:s2+s3], $0x80, v3, vm0, $0xb8;
	[tilespmem:$0x14380] =	vst v63  }
0x58: {  	s31 =	simm.s32 $0x7B80  }
0x59: {  	[tilespmem:s31], [sflag:$0x1] =	stream.indirect_vreg.gather [hbm4b:s5+s3], $0x80, v3, vm0, $0xb8;
	[tilespmem:$0x14380] =	vst v63  }
0x5a: {  	v3 =	vld [tilespmem:$0x40];
	_ =	sdelay $0x4  }
0x5b: {  	v58 =	vshll.u32 v3, $0x2  }
0x5c: {  	v3 =	vand.u32 $0x7, v3;
	v4 =	vand.u32 $0xFFFFFFE0, v58  }
0x5d: {  	v3 =	vor.u32 v3, v4  }
0x5e: {  	v4 =	vperm.xlane v3, v0;
	_ =	sdelay $0x1  }
0x5f: {  	v4 =	vadd.s32 v1, v4;
	_ =	sdelay $0x1  }
0x60: {  	v3 =	vperm.xlane v3, v2;
	_ =	sdelay $0x1  }
0x61: {  	s31 =	simm.s32 $0x8380;
	v3 =	vadd.s32 v1, v3  }
0x62: {  	[tilespmem:s31], [sflag:$0x1] =	stream.indirect_vreg.gather [hbm4b:s2+s3], $0x80, v4, vm0, $0xb8;
	[tilespmem:$0x14380] =	vst v63  }
0x63: {  	s31 =	simm.s32 $0x8B80  }
0x64: {  	[tilespmem:s31], [sflag:$0x1] =	stream.indirect_vreg.gather [hbm4b:s5+s3], $0x80, v4, vm0, $0xb8;
	[tilespmem:$0x14380] =	vst v63  }
0x65: {  	s31 =	simm.s32 $0x9380  }
0x66: {  	[tilespmem:s31], [sflag:$0x1] =	stream.indirect_vreg.gather [hbm4b:s2+s3], $0x80, v3, vm0, $0xb8;
	[tilespmem:$0x14380] =	vst v63  }
0x67: {  	s31 =	simm.s32 $0x9B80  }
0x68: {  	[tilespmem:s31], [sflag:$0x1] =	stream.indirect_vreg.gather [hbm4b:s5+s3], $0x80, v3, vm0, $0xb8;
	[tilespmem:$0x14380] =	vst v63  }
0x69: {  	v3 =	vld [tilespmem:$0x50];
	_ =	sdelay $0x4  }
0x6a: {  	v59 =	vshll.u32 v3, $0x2  }
0x6b: {  	v3 =	vand.u32 $0x7, v3;
	v4 =	vand.u32 $0xFFFFFFE0, v59  }
0x6c: {  	v3 =	vor.u32 v3, v4  }
0x6d: {  	v4 =	vperm.xlane v3, v0;
	_ =	sdelay $0x1  }
0x6e: {  	v4 =	vadd.s32 v1, v4;
	_ =	sdelay $0x1  }
0x6f: {  	v3 =	vperm.xlane v3, v2;
	_ =	sdelay $0x1  }
0x70: {  	v3 =	vadd.s32 v1, v3  }
0x71: {  	[tilespmem:s30], [sflag:$0x2] =	stream.indirect_vreg.gather [hbm4b:s2+s3], $0x80, v4, vm0, $0xb8;
	[tilespmem:$0x14380] =	vst v63  }
0x72: {  	s31 =	simm.s32 $0xAB80  }
0x73: {  	[tilespmem:s31], [sflag:$0x2] =	stream.indirect_vreg.gather [hbm4b:s5+s3], $0x80, v4, vm0, $0xb8;
	[tilespmem:$0x14380] =	vst v63  }
0x74: {  	s31 =	simm.s32 $0xB380  }
0x75: {  	[tilespmem:s31], [sflag:$0x2] =	stream.indirect_vreg.gather [hbm4b:s2+s3], $0x80, v3, vm0, $0xb8;
	[tilespmem:$0x14380] =	vst v63  }
0x76: {  	_ = 	snop  }
0x77: {  	[tilespmem:s0], [sflag:$0x2] =	stream.indirect_vreg.gather [hbm4b:s5+s3], $0x80, v3, vm0, $0xb8;
	[tilespmem:$0x14380] =	vst v63  }
0x78: {  	v3 =	vld [tilespmem:$0x60];
	_ =	sdelay $0x4  }
0x79: {  	v60 =	vshll.u32 v3, $0x2  }
0x7a: {  	v3 =	vand.u32 $0x7, v3;
	v4 =	vand.u32 $0xFFFFFFE0, v60  }
0x7b: {  	v3 =	vor.u32 v3, v4  }
0x7c: {  	v4 =	vperm.xlane v3, v0;
	_ =	sdelay $0x1  }
0x7d: {  	v4 =	vadd.s32 v1, v4;
	_ =	sdelay $0x1  }
0x7e: {  	v3 =	vperm.xlane v3, v2;
	_ =	sdelay $0x1  }
0x7f: {  	v3 =	vadd.s32 v1, v3  }
0x80: {  	[tilespmem:s4], [sflag:$0x2] =	stream.indirect_vreg.gather [hbm4b:s2+s3], $0x80, v4, vm0, $0xb8;
	[tilespmem:$0x14380] =	vst v63  }
0x81: {  	_ = 	snop  }
0x82: {  	[tilespmem:s6], [sflag:$0x2] =	stream.indirect_vreg.gather [hbm4b:s5+s3], $0x80, v4, vm0, $0xb8;
	[tilespmem:$0x14380] =	vst v63  }
0x83: {  	_ = 	snop  }
0x84: {  	[tilespmem:s8], [sflag:$0x2] =	stream.indirect_vreg.gather [hbm4b:s2+s3], $0x80, v3, vm0, $0xb8;
	[tilespmem:$0x14380] =	vst v63  }
0x85: {  	_ = 	snop  }
0x86: {  	[tilespmem:s10], [sflag:$0x2] =	stream.indirect_vreg.gather [hbm4b:s5+s3], $0x80, v3, vm0, $0xb8;
	[tilespmem:$0x14380] =	vst v63  }
0x87: {  	v3 =	vld [tilespmem:$0x70];
	_ =	sdelay $0x4  }
0x88: {  	v61 =	vshll.u32 v3, $0x2  }
0x89: {  	v3 =	vand.u32 $0x7, v3;
	v4 =	vand.u32 $0xFFFFFFE0, v61  }
0x8a: {  	v3 =	vor.u32 v3, v4  }
0x8b: {  	v4 =	vperm.xlane v3, v0;
	_ =	sdelay $0x1  }
0x8c: {  	v4 =	vadd.s32 v1, v4;
	_ =	sdelay $0x1  }
0x8d: {  	v3 =	vperm.xlane v3, v2;
	_ =	sdelay $0x1  }
0x8e: {  	v3 =	vadd.s32 v1, v3  }
0x8f: {  	[tilespmem:s11], [sflag:$0x2] =	stream.indirect_vreg.gather [hbm4b:s2+s3], $0x80, v4, vm0, $0xb8;
	[tilespmem:$0x14380] =	vst v63  }
0x90: {  	_ = 	snop  }
0x91: {  	[tilespmem:s12], [sflag:$0x2] =	stream.indirect_vreg.gather [hbm4b:s5+s3], $0x80, v4, vm0, $0xb8;
	[tilespmem:$0x14380] =	vst v63  }
0x92: {  	_ = 	snop  }
0x93: {  	[tilespmem:s13], [sflag:$0x2] =	stream.indirect_vreg.gather [hbm4b:s2+s3], $0x80, v3, vm0, $0xb8;
	[tilespmem:$0x14380] =	vst v63  }
0x94: {  	_ = 	snop  }
0x95: {  	[tilespmem:s14], [sflag:$0x2] =	stream.indirect_vreg.gather [hbm4b:s5+s3], $0x80, v3, vm0, $0xb8;
	[tilespmem:$0x14380] =	vst v63  }
0x96: {  	v3 =	vld [tilespmem:$0x80];
	_ =	sdelay $0x4  }
0x97: {  	v62 =	vshll.u32 v3, $0x2  }
0x98: {  	v3 =	vand.u32 $0x7, v3;
	v4 =	vand.u32 $0xFFFFFFE0, v62  }
0x99: {  	v3 =	vor.u32 v3, v4  }
0x9a: {  	v4 =	vperm.xlane v3, v0;
	_ =	sdelay $0x1  }
0x9b: {  	v4 =	vadd.s32 v1, v4;
	_ =	sdelay $0x1  }
0x9c: {  	v3 =	vperm.xlane v3, v2;
	_ =	sdelay $0x1  }
0x9d: {  	v3 =	vadd.s32 v1, v3  }
0x9e: {  	[tilespmem:s15], [sflag:$0x2] =	stream.indirect_vreg.gather [hbm4b:s2+s3], $0x80, v4, vm0, $0xb8;
	[tilespmem:$0x14380] =	vst v63  }
0x9f: {  	_ = 	snop  }
0xa0: {  	[tilespmem:s16], [sflag:$0x2] =	stream.indirect_vreg.gather [hbm4b:s5+s3], $0x80, v4, vm0, $0xb8;
	[tilespmem:$0x14380] =	vst v63  }
0xa1: {  	_ = 	snop  }
0xa2: {  	[tilespmem:s17], [sflag:$0x2] =	stream.indirect_vreg.gather [hbm4b:s2+s3], $0x80, v3, vm0, $0xb8;
	[tilespmem:$0x14380] =	vst v63  }
0xa3: {  	_ = 	snop  }
0xa4: {  	[tilespmem:s18], [sflag:$0x2] =	stream.indirect_vreg.gather [hbm4b:s5+s3], $0x80, v3, vm0, $0xb8;
	[tilespmem:$0x14380] =	vst v63  }
0xa5: {  	v3 =	vld [tilespmem:$0x90];
	_ =	sdelay $0x4  }
0xa6: {  	v63 =	vshll.u32 v3, $0x2  }
0xa7: {  	v3 =	vand.u32 $0x7, v3;
	v4 =	vand.u32 $0xFFFFFFE0, v63  }
0xa8: {  	v3 =	vor.u32 v3, v4  }
0xa9: {  	v4 =	vperm.xlane v3, v0;
	_ =	sdelay $0x1  }
0xaa: {  	v4 =	vadd.s32 v1, v4;
	_ =	sdelay $0x1  }
0xab: {  	v3 =	vperm.xlane v3, v2;
	_ =	sdelay $0x1  }
0xac: {  	v3 =	vadd.s32 v1, v3  }
0xad: {  	[tilespmem:s19], [sflag:$0x2] =	stream.indirect_vreg.gather [hbm4b:s2+s3], $0x80, v4, vm0, $0xb8;
	[tilespmem:$0x14380] =	vst v63  }
0xae: {  	_ = 	snop  }
0xaf: {  	[tilespmem:s20], [sflag:$0x2] =	stream.indirect_vreg.gather [hbm4b:s5+s3], $0x80, v4, vm0, $0xb8;
	[tilespmem:$0x14380] =	vst v63  }
0xb0: {  	_ = 	snop  }
0xb1: {  	[tilespmem:s21], [sflag:$0x2] =	stream.indirect_vreg.gather [hbm4b:s2+s3], $0x80, v3, vm0, $0xb8;
	[tilespmem:$0x14380] =	vst v63  }
0xb2: {  	s29 =	simm.s32 $0x0;
	s28 =	simm.s32 $0x130  }
0xb3: {  	[tilespmem:s22], [sflag:$0x2] =	stream.indirect_vreg.gather [hbm4b:s5+s3], $0x80, v3, vm0, $0xb8;
	[tilespmem:$0x14380] =	vst v63  }
.LBB2_2:
0xb4: {  	_ =	swait.ge [sflag:s23], $0xA000  }
0xb5: {  	p0 =	seq.s32 s29, $0xA000;
	[sflag:s23] =	ssyncset.done $0x0  }
.Ltmp2:
0xb6: {  	s31 =	sadd.s32 s29, s7;
	[sflag:s23] =	ssyncadd.s32 $0xFFFF6000;
	(pc) =	sbr.rel @p0 .LBB2_4-.Ltmp2, $4  }
0xb7: {  	[hbm4b:s31+s3] =	stream.linear.scatter [tilespmem:s9], [sflag:$0x3], $0xA000, $0x38;
	[tilespmem:$0x14380] =	vst v63  }
0xb8: {  	_ =	swait.ge [sflag:s24], $0xA000  }
0xb9: {  	[sflag:s24] =	ssyncset.done $0x0  }
0xba: {  	[sflag:s24] =	ssyncadd.s32 $0xFFFF6000  }
0xbb: {  	v3 =	vld [tilespmem:s28+$0xFFFFFF70];
	_ =	sdelay $0x4  }
0xbc: {  	v4 =	vshll.u32 v3, $0x2  }
0xbd: {  	v3 =	vand.u32 $0x7, v3;
	v4 =	vand.u32 $0xFFFFFFE0, v4  }
0xbe: {  	v3 =	vor.u32 v3, v4  }
0xbf: {  	v4 =	vperm.xlane v3, v0;
	_ =	sdelay $0x1  }
0xc0: {  	v4 =	vadd.s32 v1, v4;
	_ =	sdelay $0x1  }
0xc1: {  	v3 =	vperm.xlane v3, v2;
	_ =	sdelay $0x1  }
0xc2: {  	v3 =	vadd.s32 v1, v3  }
0xc3: {  	[tilespmem:s9], [sflag:$0x1] =	stream.indirect_vreg.gather [hbm4b:s2+s3], $0x80, v4, vm0, $0xb8;
	[tilespmem:$0x14380] =	vst v63  }
0xc4: {  	s1 =	simm.s32 $0xB80  }
0xc5: {  	[tilespmem:s1], [sflag:$0x1] =	stream.indirect_vreg.gather [hbm4b:s5+s3], $0x80, v4, vm0, $0xb8;
	[tilespmem:$0x14380] =	vst v63  }
0xc6: {  	s1 =	simm.s32 $0x1380  }
0xc7: {  	[tilespmem:s1], [sflag:$0x1] =	stream.indirect_vreg.gather [hbm4b:s2+s3], $0x80, v3, vm0, $0xb8;
	[tilespmem:$0x14380] =	vst v63  }
0xc8: {  	s1 =	simm.s32 $0x1B80  }
0xc9: {  	[tilespmem:s1], [sflag:$0x1] =	stream.indirect_vreg.gather [hbm4b:s5+s3], $0x80, v3, vm0, $0xb8;
	[tilespmem:$0x14380] =	vst v63  }
0xca: {  	v3 =	vld [tilespmem:s28+$0xFFFFFF80];
	_ =	sdelay $0x4  }
0xcb: {  	v60 =	vshll.u32 v3, $0x2  }
0xcc: {  	v3 =	vand.u32 $0x7, v3;
	v4 =	vand.u32 $0xFFFFFFE0, v60  }
0xcd: {  	v3 =	vor.u32 v3, v4  }
0xce: {  	v4 =	vperm.xlane v3, v0;
	_ =	sdelay $0x1  }
0xcf: {  	v4 =	vadd.s32 v1, v4;
	_ =	sdelay $0x1  }
0xd0: {  	v3 =	vperm.xlane v3, v2;
	_ =	sdelay $0x1  }
0xd1: {  	s1 =	simm.s32 $0x2380;
	v3 =	vadd.s32 v1, v3  }
0xd2: {  	[tilespmem:s1], [sflag:$0x1] =	stream.indirect_vreg.gather [hbm4b:s2+s3], $0x80, v4, vm0, $0xb8;
	[tilespmem:$0x14380] =	vst v63  }
0xd3: {  	s1 =	simm.s32 $0x2B80  }
0xd4: {  	[tilespmem:s1], [sflag:$0x1] =	stream.indirect_vreg.gather [hbm4b:s5+s3], $0x80, v4, vm0, $0xb8;
	[tilespmem:$0x14380] =	vst v63  }
0xd5: {  	s1 =	simm.s32 $0x3380  }
0xd6: {  	[tilespmem:s1], [sflag:$0x1] =	stream.indirect_vreg.gather [hbm4b:s2+s3], $0x80, v3, vm0, $0xb8;
	[tilespmem:$0x14380] =	vst v63  }
0xd7: {  	s1 =	simm.s32 $0x3B80  }
0xd8: {  	[tilespmem:s1], [sflag:$0x1] =	stream.indirect_vreg.gather [hbm4b:s5+s3], $0x80, v3, vm0, $0xb8;
	[tilespmem:$0x14380] =	vst v63  }
0xd9: {  	v3 =	vld [tilespmem:s28+$0xFFFFFF90];
	_ =	sdelay $0x4  }
0xda: {  	v61 =	vshll.u32 v3, $0x2  }
0xdb: {  	v3 =	vand.u32 $0x7, v3;
	v4 =	vand.u32 $0xFFFFFFE0, v61  }
0xdc: {  	v3 =	vor.u32 v3, v4  }
0xdd: {  	v4 =	vperm.xlane v3, v0;
	_ =	sdelay $0x1  }
0xde: {  	v4 =	vadd.s32 v1, v4;
	_ =	sdelay $0x1  }
0xdf: {  	v3 =	vperm.xlane v3, v2;
	_ =	sdelay $0x1  }
0xe0: {  	s1 =	simm.s32 $0x4380;
	v3 =	vadd.s32 v1, v3  }
0xe1: {  	[tilespmem:s1], [sflag:$0x1] =	stream.indirect_vreg.gather [hbm4b:s2+s3], $0x80, v4, vm0, $0xb8;
	[tilespmem:$0x14380] =	vst v63  }
0xe2: {  	s1 =	simm.s32 $0x4B80  }
0xe3: {  	[tilespmem:s1], [sflag:$0x1] =	stream.indirect_vreg.gather [hbm4b:s5+s3], $0x80, v4, vm0, $0xb8;
	[tilespmem:$0x14380] =	vst v63  }
0xe4: {  	s1 =	simm.s32 $0x5380  }
0xe5: {  	[tilespmem:s1], [sflag:$0x1] =	stream.indirect_vreg.gather [hbm4b:s2+s3], $0x80, v3, vm0, $0xb8;
	[tilespmem:$0x14380] =	vst v63  }
0xe6: {  	s1 =	simm.s32 $0x5B80  }
0xe7: {  	[tilespmem:s1], [sflag:$0x1] =	stream.indirect_vreg.gather [hbm4b:s5+s3], $0x80, v3, vm0, $0xb8;
	[tilespmem:$0x14380] =	vst v63  }
0xe8: {  	v3 =	vld [tilespmem:s28+$0xFFFFFFA0];
	_ =	sdelay $0x4  }
0xe9: {  	v62 =	vshll.u32 v3, $0x2  }
0xea: {  	v3 =	vand.u32 $0x7, v3;
	v4 =	vand.u32 $0xFFFFFFE0, v62  }
0xeb: {  	v3 =	vor.u32 v3, v4  }
0xec: {  	v4 =	vperm.xlane v3, v0;
	_ =	sdelay $0x1  }
0xed: {  	v4 =	vadd.s32 v1, v4;
	_ =	sdelay $0x1  }
0xee: {  	v3 =	vperm.xlane v3, v2;
	_ =	sdelay $0x1  }
0xef: {  	s1 =	simm.s32 $0x6380;
	v3 =	vadd.s32 v1, v3  }
0xf0: {  	[tilespmem:s1], [sflag:$0x1] =	stream.indirect_vreg.gather [hbm4b:s2+s3], $0x80, v4, vm0, $0xb8;
	[tilespmem:$0x14380] =	vst v63  }
0xf1: {  	s1 =	simm.s32 $0x6B80  }
0xf2: {  	[tilespmem:s1], [sflag:$0x1] =	stream.indirect_vreg.gather [hbm4b:s5+s3], $0x80, v4, vm0, $0xb8;
	[tilespmem:$0x14380] =	vst v63  }
0xf3: {  	s1 =	simm.s32 $0x7380  }
0xf4: {  	[tilespmem:s1], [sflag:$0x1] =	stream.indirect_vreg.gather [hbm4b:s2+s3], $0x80, v3, vm0, $0xb8;
	[tilespmem:$0x14380] =	vst v63  }
0xf5: {  	s1 =	simm.s32 $0x7B80  }
0xf6: {  	[tilespmem:s1], [sflag:$0x1] =	stream.indirect_vreg.gather [hbm4b:s5+s3], $0x80, v3, vm0, $0xb8;
	[tilespmem:$0x14380] =	vst v63  }
0xf7: {  	v3 =	vld [tilespmem:s28+$0xFFFFFFB0];
	_ =	sdelay $0x4  }
0xf8: {  	v63 =	vshll.u32 v3, $0x2  }
0xf9: {  	v3 =	vand.u32 $0x7, v3;
	v4 =	vand.u32 $0xFFFFFFE0, v63  }
0xfa: {  	v3 =	vor.u32 v3, v4  }
0xfb: {  	v4 =	vperm.xlane v3, v0;
	_ =	sdelay $0x1  }
0xfc: {  	v4 =	vadd.s32 v1, v4;
	_ =	sdelay $0x1  }
0xfd: {  	v3 =	vperm.xlane v3, v2;
	_ =	sdelay $0x1  }
0xfe: {  	s1 =	simm.s32 $0x8380;
	v3 =	vadd.s32 v1, v3  }
0xff: {  	[tilespmem:s1], [sflag:$0x1] =	stream.indirect_vreg.gather [hbm4b:s2+s3], $0x80, v4, vm0, $0xb8;
	[tilespmem:$0x14380] =	vst v63  }
0x100: {  	s1 =	simm.s32 $0x8B80  }
0x101: {  	[tilespmem:s1], [sflag:$0x1] =	stream.indirect_vreg.gather [hbm4b:s5+s3], $0x80, v4, vm0, $0xb8;
	[tilespmem:$0x14380] =	vst v63  }
0x102: {  	s1 =	simm.s32 $0x9380  }
0x103: {  	[tilespmem:s1], [sflag:$0x1] =	stream.indirect_vreg.gather [hbm4b:s2+s3], $0x80, v3, vm0, $0xb8;
	[tilespmem:$0x14380] =	vst v63  }
0x104: {  	s1 =	simm.s32 $0x9B80  }
0x105: {  	[tilespmem:s1], [sflag:$0x1] =	stream.indirect_vreg.gather [hbm4b:s5+s3], $0x80, v3, vm0, $0xb8;
	[tilespmem:$0x14380] =	vst v63  }
.LBB2_4:
0x106: {  	_ =	swait.ge [sflag:s25], $0xA000  }
0x107: {  	[sflag:s25] =	ssyncset.done $0x0  }
.Ltmp3:
0x108: {  	s31 =	sadd.s32 $0x1400, s31;
	[sflag:s25] =	ssyncadd.s32 $0xFFFF6000;
	(pc) =	sbr.rel @p0 .LBB2_6-.Ltmp3, $4  }
0x109: {  	[hbm4b:s31+s3] =	stream.linear.scatter [tilespmem:s30], [sflag:$0x4], $0xA000, $0x38;
	[tilespmem:$0x14380] =	vst v63  }
0x10a: {  	_ =	swait.ge [sflag:s26], $0xA000  }
0x10b: {  	[sflag:s26] =	ssyncset.done $0x0  }
0x10c: {  	[sflag:s26] =	ssyncadd.s32 $0xFFFF6000  }
0x10d: {  	v3 =	vld [tilespmem:s28+$0xFFFFFFC0];
	_ =	sdelay $0x4  }
0x10e: {  	v4 =	vshll.u32 v3, $0x2  }
0x10f: {  	v3 =	vand.u32 $0x7, v3;
	v4 =	vand.u32 $0xFFFFFFE0, v4  }
0x110: {  	v3 =	vor.u32 v3, v4  }
0x111: {  	v4 =	vperm.xlane v3, v0;
	_ =	sdelay $0x1  }
0x112: {  	v4 =	vadd.s32 v1, v4;
	_ =	sdelay $0x1  }
0x113: {  	v3 =	vperm.xlane v3, v2;
	_ =	sdelay $0x1  }
0x114: {  	v3 =	vadd.s32 v1, v3  }
0x115: {  	[tilespmem:s30], [sflag:$0x2] =	stream.indirect_vreg.gather [hbm4b:s2+s3], $0x80, v4, vm0, $0xb8;
	[tilespmem:$0x14380] =	vst v63  }
0x116: {  	s1 =	simm.s32 $0xAB80  }
0x117: {  	[tilespmem:s1], [sflag:$0x2] =	stream.indirect_vreg.gather [hbm4b:s5+s3], $0x80, v4, vm0, $0xb8;
	[tilespmem:$0x14380] =	vst v63  }
0x118: {  	s31 =	simm.s32 $0xB380  }
0x119: {  	[tilespmem:s31], [sflag:$0x2] =	stream.indirect_vreg.gather [hbm4b:s2+s3], $0x80, v3, vm0, $0xb8;
	[tilespmem:$0x14380] =	vst v63  }
0x11a: {  	_ = 	snop  }
0x11b: {  	[tilespmem:s0], [sflag:$0x2] =	stream.indirect_vreg.gather [hbm4b:s5+s3], $0x80, v3, vm0, $0xb8;
	[tilespmem:$0x14380] =	vst v63  }
0x11c: {  	v3 =	vld [tilespmem:s28+$0xFFFFFFD0];
	_ =	sdelay $0x4  }
0x11d: {  	v60 =	vshll.u32 v3, $0x2  }
0x11e: {  	v3 =	vand.u32 $0x7, v3;
	v4 =	vand.u32 $0xFFFFFFE0, v60  }
0x11f: {  	v3 =	vor.u32 v3, v4  }
0x120: {  	v4 =	vperm.xlane v3, v0;
	_ =	sdelay $0x1  }
0x121: {  	v4 =	vadd.s32 v1, v4;
	_ =	sdelay $0x1  }
0x122: {  	v3 =	vperm.xlane v3, v2;
	_ =	sdelay $0x1  }
0x123: {  	v3 =	vadd.s32 v1, v3  }
0x124: {  	[tilespmem:s4], [sflag:$0x2] =	stream.indirect_vreg.gather [hbm4b:s2+s3], $0x80, v4, vm0, $0xb8;
	[tilespmem:$0x14380] =	vst v63  }
0x125: {  	_ = 	snop  }
0x126: {  	[tilespmem:s6], [sflag:$0x2] =	stream.indirect_vreg.gather [hbm4b:s5+s3], $0x80, v4, vm0, $0xb8;
	[tilespmem:$0x14380] =	vst v63  }
0x127: {  	_ = 	snop  }
0x128: {  	[tilespmem:s8], [sflag:$0x2] =	stream.indirect_vreg.gather [hbm4b:s2+s3], $0x80, v3, vm0, $0xb8;
	[tilespmem:$0x14380] =	vst v63  }
0x129: {  	_ = 	snop  }
0x12a: {  	[tilespmem:s10], [sflag:$0x2] =	stream.indirect_vreg.gather [hbm4b:s5+s3], $0x80, v3, vm0, $0xb8;
	[tilespmem:$0x14380] =	vst v63  }
0x12b: {  	v3 =	vld [tilespmem:s28+$0xFFFFFFE0];
	_ =	sdelay $0x4  }
0x12c: {  	v61 =	vshll.u32 v3, $0x2  }
0x12d: {  	v3 =	vand.u32 $0x7, v3;
	v4 =	vand.u32 $0xFFFFFFE0, v61  }
0x12e: {  	v3 =	vor.u32 v3, v4  }
0x12f: {  	v4 =	vperm.xlane v3, v0;
	_ =	sdelay $0x1  }
0x130: {  	v4 =	vadd.s32 v1, v4;
	_ =	sdelay $0x1  }
0x131: {  	v3 =	vperm.xlane v3, v2;
	_ =	sdelay $0x1  }
0x132: {  	v3 =	vadd.s32 v1, v3  }
0x133: {  	[tilespmem:s11], [sflag:$0x2] =	stream.indirect_vreg.gather [hbm4b:s2+s3], $0x80, v4, vm0, $0xb8;
	[tilespmem:$0x14380] =	vst v63  }
0x134: {  	_ = 	snop  }
0x135: {  	[tilespmem:s12], [sflag:$0x2] =	stream.indirect_vreg.gather [hbm4b:s5+s3], $0x80, v4, vm0, $0xb8;
	[tilespmem:$0x14380] =	vst v63  }
0x136: {  	_ = 	snop  }
0x137: {  	[tilespmem:s13], [sflag:$0x2] =	stream.indirect_vreg.gather [hbm4b:s2+s3], $0x80, v3, vm0, $0xb8;
	[tilespmem:$0x14380] =	vst v63  }
0x138: {  	_ = 	snop  }
0x139: {  	[tilespmem:s14], [sflag:$0x2] =	stream.indirect_vreg.gather [hbm4b:s5+s3], $0x80, v3, vm0, $0xb8;
	[tilespmem:$0x14380] =	vst v63  }
0x13a: {  	v3 =	vld [tilespmem:s28+$0xFFFFFFF0];
	_ =	sdelay $0x4  }
0x13b: {  	v62 =	vshll.u32 v3, $0x2  }
0x13c: {  	v3 =	vand.u32 $0x7, v3;
	v4 =	vand.u32 $0xFFFFFFE0, v62  }
0x13d: {  	v3 =	vor.u32 v3, v4  }
0x13e: {  	v4 =	vperm.xlane v3, v0;
	_ =	sdelay $0x1  }
0x13f: {  	v4 =	vadd.s32 v1, v4;
	_ =	sdelay $0x1  }
0x140: {  	v3 =	vperm.xlane v3, v2;
	_ =	sdelay $0x1  }
0x141: {  	v3 =	vadd.s32 v1, v3  }
0x142: {  	[tilespmem:s15], [sflag:$0x2] =	stream.indirect_vreg.gather [hbm4b:s2+s3], $0x80, v4, vm0, $0xb8;
	[tilespmem:$0x14380] =	vst v63  }
0x143: {  	_ = 	snop  }
0x144: {  	[tilespmem:s16], [sflag:$0x2] =	stream.indirect_vreg.gather [hbm4b:s5+s3], $0x80, v4, vm0, $0xb8;
	[tilespmem:$0x14380] =	vst v63  }
0x145: {  	_ = 	snop  }
0x146: {  	[tilespmem:s17], [sflag:$0x2] =	stream.indirect_vreg.gather [hbm4b:s2+s3], $0x80, v3, vm0, $0xb8;
	[tilespmem:$0x14380] =	vst v63  }
0x147: {  	_ = 	snop  }
0x148: {  	[tilespmem:s18], [sflag:$0x2] =	stream.indirect_vreg.gather [hbm4b:s5+s3], $0x80, v3, vm0, $0xb8;
	[tilespmem:$0x14380] =	vst v63  }
0x149: {  	v3 =	vld [tilespmem:s28+$0x0];
	_ =	sdelay $0x4  }
0x14a: {  	v63 =	vshll.u32 v3, $0x2  }
0x14b: {  	v3 =	vand.u32 $0x7, v3;
	v4 =	vand.u32 $0xFFFFFFE0, v63  }
0x14c: {  	v3 =	vor.u32 v3, v4  }
0x14d: {  	v4 =	vperm.xlane v3, v0;
	_ =	sdelay $0x1  }
0x14e: {  	v4 =	vadd.s32 v1, v4;
	_ =	sdelay $0x2  }
0x14f: {  	v3 =	vperm.xlane v3, v2;
	_ =	sdelay $0x1  }
0x150: {  	v3 =	vadd.s32 v1, v3;
	[tilespmem:s19], [sflag:$0x2] =	stream.indirect_vreg.gather [hbm4b:s2+s3], $0x80, v4, vm0, $0xb8;
	[tilespmem:$0x14380] =	vst v63  }
0x151: {  	_ = 	snop  }
0x152: {  	[tilespmem:s20], [sflag:$0x2] =	stream.indirect_vreg.gather [hbm4b:s5+s3], $0x80, v4, vm0, $0xb8;
	[tilespmem:$0x14380] =	vst v63  }
.Ltmp4:
0x153: {  	_ = 	snop;
	(pc) =	sbr.rel .LBB2_2-.Ltmp4, $4  }
0x154: {  	_ = 	snop  }
0x155: {  	[tilespmem:s21], [sflag:$0x2] =	stream.indirect_vreg.gather [hbm4b:s2+s3], $0x80, v3, vm0, $0xb8;
	[tilespmem:$0x14380] =	vst v63  }
0x156: {  	s29 =	sadd.s32 $0x2800, s29;
	s28 =	sadd.s32 $0xA0, s28  }
0x157: {  	[tilespmem:s22], [sflag:$0x2] =	stream.indirect_vreg.gather [hbm4b:s5+s3], $0x80, v3, vm0, $0xb8;
	[tilespmem:$0x14380] =	vst v63  }
.LBB2_7:
0x158: {  	_ =	sfence.sel $0x180000  }
0x159: {  	[bflag:$0x0] =	sbarrier.arrive $0xFFFF  }
0x15a: {  	_ =	strace $0x9000004D  }
0x15b: {  	s0 =	stileid.u32;
	[bflag:$0x2] =	sbarrier.arrive $0xFFFF  }
0x15c: {  	p0 =	sne.s32 s0, $0x0;
	s0 =	rddreg [dreg:$0x2]  }
0x15d: {  	s0 =	sadd.s32 @!p0 $0x100000, s0  }
0x15e: {  	[sflag:s0] =	ssyncadd.tile.s32 @!p0 $0x1;
	_ =	shalt  }
.Lfunc_end2:
_tile_overlayer_lowered:
.L_overlay_start_2:
0x15f: {  	(tag) =	ssettag $0x2  }
0x160: {  	s0 =	rddreg [dreg:$0x0];
	s2 =	stileid.u32  }
0x161: {  	s1 =	rddreg [dreg:$0x1];
	p0 =	sne.s32 s2, $0x0  }
0x162: {  	s3 =	rddreg [dreg:$0x2];
	[bflag:$0x3] =	sbarrier.arrive $0xFFFF;
	s2 =	simm.s32 @!p0 $0x1C05  }
0x163: {  	[timem:s3], [sflag:s2] =	dma.local @!p0 [hbm:s0], s1  }
0x164: {  	s0 =	simm.s32 @!p0 $0x5  }
0x165: {  	_ =	swait.ge @!p0 [sflag:s0], s1  }
0x166: {  	s1 =	ssub.s32 @!p0 $0x0, s1;
	[sflag:s0] =	ssyncset.done @!p0 $0x0  }
0x167: {  	[sflag:s0] =	ssyncadd.s32 @!p0 s1  }
0x168: {  	[bflag:$0x3] =	sbarrier.arrive $0xFFFF  }
0x169: {  	_ =	shalt  }

// kernel: kernel.14.cloned.1.call-start
scs
__scs_entry_jumppad:
0x0: {  	(pc) =	sbr.rel $0x88, $3  }
0x1: {  	(tag) =	ssettag $0x0;
	lr =	simm.s32 $0x1  }
0x2: {  	[smem:$0x3F9E] =	sst lr;
	_ =	strace $0xD0000000  }
0x3: {  	_ = 	snop  }
0x4: {  	_ = 	snop  }
0x5: {  	_ = 	snop  }
0x6: {  	_ = 	snop  }
0x7: {  	_ = 	snop  }
__scs_overlays_trampoline_lowered:
0x8: {  	[smem:$0x3FAD] =	sst s0  }
0x9: {  	[smem:$0x3FAE] =	sst s1  }
0xa: {  	[smem:$0x3FAF] =	sst s2  }
0xb: {  	[smem:$0x3FB0] =	sst s3  }
0xc: {  	[smem:$0x3FB1] =	sst s4  }
0xd: {  	[smem:$0x3FB2] =	sst s5  }
0xe: {  	[smem:$0x3FB3] =	sst s6  }
0xf: {  	[smem:$0x3FB4] =	sst s7  }
0x10: {  	[smem:$0x3FB5] =	sst s8  }
0x11: {  	[smem:$0x3FB6] =	sst s9;
	s0 =	simm.s32 @!p0 $0x0  }
0x12: {  	s1 =	sld [smem:$0x3F9C];
	s0 =	simm.s32 @p0 $0x1  }
0x13: {  	[smem:$0x3FB7] =	sst s0;
	s0 =	simm.s32 @!p1 $0x0  }
0x14: {  	s2 =	sld [smem:$0x3F9B];
	s0 =	simm.s32 @p1 $0x1  }
0x15: {  	[smem:$0x3FB8] =	sst s0;
	s0 =	simm.s32 @!p2 $0x0  }
0x16: {  	s3 =	sld [smem:$0x3FDB];
	s0 =	simm.s32 @p2 $0x1  }
0x17: {  	s4 =	simm.s32 $0x1BF5;
	[smem:$0x3FBA] =	sst s0  }
0x18: {  	s0 =	sld [smem:$0x3F9D];
	_ =	swait.ge [sflag:s4], $0x0  }
0x19: {  	s7 =	sld [smem:$0x3F9E]  }
0x1a: {  	s8 =	sadd.s32 $0xFFFFE003, lr  }
0x1b: {  	s9 =	sadd.s32 $0xFFFFFEF7, lr;
	s5 =	simm.s32 $0xFFFFFFFF;
	p2 =	slt.u32 s8, $0xFFFFF086  }
0x1c: {  	p1 =	slt.u32 s9, $0xF7A;
	s5 =	simm.s32 @!p2 $0x0  }
0x1d: {  	s5 =	simm.s32 @p1 $0x1;
	p0 =	seq.s32 s7, s2  }
0x1e: {  	s7 =	smul.u32 @!p0 $0xF7A, s2;
	p2 =	seq.s32 @!p0 s5, $0x0  }
0x1f: {  	s9 =	smul.u32 $0xF7A, s1;
	s8 =	simm.s32 @!p0 $0x1BF5;
	p2 =	por !p2, p0  }
0x20: {  	[sflag:s8] =	ssyncset.s32 @!p0 $0xFFFFF086;
	s6 =	sadd.s32 @!p0 s3, s7;
	s7 =	simm.s32 @!p0 $0x108  }
0x21: {  	s3 =	sadd.s32 s3, s9;
	s6 =	sadd.s32 @!p0 $0x88, s6;
	s7 =	simm.s32 @p2 $0x1082  }
0x22: {  	[simem:s7], [sflag:s8] =	dma.local @!p0 [hbm:s6], $0xF7A  }
0x23: {  	s9 =	sor.u32 $0xD0000000, s2;
	s6 =	simm.s32 $0x108;
	_ =	swait.ge @!p0 [sflag:s8], $0x0  }
0x24: {  	s3 =	sadd.s32 $0x88, s3;
	s6 =	simm.s32 @!p1 $0x1082;
	[sflag:s4] =	ssyncset.s32 $0xFFFFF086  }
0x25: {  	[simem:s6], [sflag:s4] =	dma.local [hbm:s3], $0xF7A  }
0x26: {  	[smem:$0x3F9E] =	sst s1;
	(tag) =	ssettag s2;
	_ =	strace s9  }
0x27: {  	s1 =	sld [smem:$0x3FAE]  }
0x28: {  	s2 =	sld [smem:$0x3FAF]  }
0x29: {  	s4 =	sld [smem:$0x3FB1]  }
0x2a: {  	p0 =	seq.s32 s5, $0x0;
	s5 =	sld [smem:$0x3FB2]  }
0x2b: {  	s6 =	sld [smem:$0x3FB3]  }
0x2c: {  	s7 =	sld [smem:$0x3FB4]  }
0x2d: {  	s3 =	simm.s32 $0x108;
	s8 =	sld [smem:$0x3FB5]  }
0x2e: {  	s3 =	simm.s32 @!p0 $0x1082;
	s9 =	sld [smem:$0x3FB6]  }
0x2f: {  	lr =	sadd.s32 s0, s3;
	s0 =	sld [smem:$0x3FAD]  }
0x30: {  	s3 =	sld [smem:$0x3FB0]  }
0x31: {  	[smem:$0x3FB9] =	sst s10  }
0x32: {  	s10 =	sld [smem:$0x3FB7];
	_ =	sdelay $0x3  }
0x33: {  	p0 =	seq.s32 s10, $0x1;
	s10 =	sld [smem:$0x3FB9];
	_ =	sdelay $0x3  }
0x34: {  	[smem:$0x3FB9] =	sst s10  }
0x35: {  	s10 =	sld [smem:$0x3FB8];
	_ =	sdelay $0x3  }
0x36: {  	p1 =	seq.s32 s10, $0x1;
	s10 =	sld [smem:$0x3FB9];
	_ =	sdelay $0x3  }
0x37: {  	[smem:$0x3FB9] =	sst s10  }
0x38: {  	s10 =	sld [smem:$0x3FBA]  }
0x39: {  	_ = 	snop;
	(pc) =	sbr.ind lr, $3  }
0x3a: {  	_ = 	snop  }
0x3b: {  	_ = 	snop  }
0x3c: {  	p2 =	seq.s32 s10, $0x1;
	s10 =	sld [smem:$0x3FB9]  }
0x3d: {  	_ =	shalt  }
0x3e: {  	_ =	shalt  }
0x3f: {  	_ =	shalt  }
0x40: {  	_ =	shalt  }
0x41: {  	_ =	shalt  }
0x42: {  	_ =	shalt  }
0x43: {  	_ =	shalt  }
0x44: {  	_ =	shalt  }
0x45: {  	_ =	shalt  }
0x46: {  	_ =	shalt  }
0x47: {  	_ =	shalt  }
0x48: {  	_ =	shalt  }
0x49: {  	_ =	shalt  }
0x4a: {  	_ =	shalt  }
0x4b: {  	_ =	shalt  }
0x4c: {  	_ =	shalt  }
0x4d: {  	_ =	shalt  }
0x4e: {  	_ =	shalt  }
0x4f: {  	_ =	shalt  }
0x50: {  	_ =	shalt  }
0x51: {  	_ =	shalt  }
0x52: {  	_ =	shalt  }
0x53: {  	_ =	shalt  }
0x54: {  	_ =	shalt  }
0x55: {  	_ =	shalt  }
0x56: {  	_ =	shalt  }
0x57: {  	_ =	shalt  }
0x58: {  	_ =	shalt  }
0x59: {  	_ =	shalt  }
0x5a: {  	_ =	shalt  }
0x5b: {  	_ =	shalt  }
0x5c: {  	_ =	shalt  }
0x5d: {  	_ =	shalt  }
0x5e: {  	_ =	shalt  }
0x5f: {  	_ =	shalt  }
0x60: {  	_ =	shalt  }
0x61: {  	_ =	shalt  }
0x62: {  	_ =	shalt  }
0x63: {  	_ =	shalt  }
0x64: {  	_ =	shalt  }
0x65: {  	_ =	shalt  }
0x66: {  	_ =	shalt  }
0x67: {  	_ =	shalt  }
0x68: {  	_ =	shalt  }
0x69: {  	_ =	shalt  }
0x6a: {  	_ =	shalt  }
0x6b: {  	_ =	shalt  }
0x6c: {  	_ =	shalt  }
0x6d: {  	_ =	shalt  }
0x6e: {  	_ =	shalt  }
0x6f: {  	_ =	shalt  }
0x70: {  	_ =	shalt  }
0x71: {  	_ =	shalt  }
0x72: {  	_ =	shalt  }
0x73: {  	_ =	shalt  }
0x74: {  	_ =	shalt  }
0x75: {  	_ =	shalt  }
0x76: {  	_ =	shalt  }
0x77: {  	_ =	shalt  }
0x78: {  	_ =	shalt  }
0x79: {  	_ =	shalt  }
0x7a: {  	_ =	shalt  }
0x7b: {  	_ =	shalt  }
0x7c: {  	_ =	shalt  }
0x7d: {  	_ =	shalt  }
0x7e: {  	_ =	shalt  }
0x7f: {  	_ =	shalt  }
0x80: {  	_ =	shalt  }
0x81: {  	_ =	shalt  }
0x82: {  	_ =	shalt  }
0x83: {  	_ =	shalt  }
0x84: {  	_ =	shalt  }
0x85: {  	_ =	shalt  }
0x86: {  	_ =	shalt  }
0x87: {  	_ =	shalt  }
.Lfunc_end0:
.L_simem_size_0:
called_computation.2_lowered:
.L_overlay_start_0:
0x88: {  	s2 =	sld [smem:$0x3FD9]  }
0x89: {  	s3 =	sld [smem:$0x3FFE];
	_ =	sdelay $0x1  }
0x8a: {  	s1 =	srdreg.scid  }
0x8b: {  	s0 =	sand.u32 $0x1, s1  }
0x8c: {  	s15 =	sshll.u32 s0, $0xA;
	s2 =	sadd.s32 s3, s2  }
0x8d: {  	s2 =	sadd.s32 s2, s15  }
0x8e: {  	[smem:$0x3FC5] =	sst s2  }
0x8f: {  	_ = 	snop  }
0x90: {  	s2 =	sld [smem:$0x3FD0];
	_ =	sdelay $0x2  }
0x91: {  	s16 =	simm.s32 $0xC;
	s4 =	simm.s32 $0x10  }
0x92: {  	[smem:s4], [sflag:s16] =	dma.local [hbm:s2], $0x1  }
0x93: {  	_ =	swait.eq [sflag:s16], $0x1  }
0x94: {  	[sflag:s16] =	ssyncset.done $0x0  }
0x95: {  	[sflag:s16] =	ssyncadd.s32 $0xFFFFFFFF  }
0x96: {  	s17 =	sld [smem:$0x11];
	(tm) =	ssettm $0x1  }
0x97: {  	s18 =	sld [smem:$0x3FFB];
	_ =	sdelay $0x3  }
0x98: {  	_ =	strace s18  }
0x99: {  	s2 =	sld [smem:$0x3FFC];
	_ =	sdelay $0x3  }
0x9a: {  	_ =	strace s2  }
0x9b: {  	s2 =	sld [smem:$0x3FFD];
	_ =	sdelay $0x3  }
0x9c: {  	_ =	strace s2  }
0x9d: {  	_ =	strace $0x8FFFFFFF  }
0x9e: {  	s19 =	sld [smem:$0x3FDB];
	_ =	sdelay $0x1  }
0x9f: {  	s20 =	simm.s32 $_scs_section_size  }
0xa0: {  	s5 =	simm.s32 $_size__tile_overlayer_lowered;
	s6 =	simm.s32 $_tile_overlayer_lowered  }
0xa1: {  	s7 =	simm.s32 $0x1BFF;
	s21 =	sshll.u32 s6, $0x1;
	s4 =	sadd.s32 s20, s19  }
0xa2: {  	s22 =	simm.s32 $0x0;
	s5 =	sshll.u32 s5, $0x1;
	s6 =	sadd.s32 s21, s4  }
0xa3: {  	[timem:s22], [sflag:s7] =	dma.local [hbm:s6], s5  }
0xa4: {  	_ =	swait.ge [sflag:s7], s5  }
0xa5: {  	s5 =	ssub.s32 $0x0, s5;
	[sflag:s7] =	ssyncset.done $0x0  }
0xa6: {  	[sflag:s7] =	ssyncadd.s32 s5;
	_ =	sdelay $0x1  }
0xa7: {  	s23 =	simm.s32 $0x1B8B  }
0xa8: {  	_ =	swait.ge [sflag:s23], $0x1  }
0xa9: {  	[sflag:s23] =	ssyncset.done $0x0  }
0xaa: {  	[sflag:s23] =	ssyncadd.s32 $0xFFFFFFFF  }
0xab: {  	s5 =	sld [smem:$0x0]  }
0xac: {  	s6 =	sand.u32 $0xFFFFFFFE, s1  }
0xad: {  	p0 =	sne.s32 s1, s6  }
0xae: {  	s6 =	sshll.u32 @p0 s6, $0xE  }
0xaf: {  	s6 =	sadd.s32 @p0 $0x11B8D, s6;
	s7 =	sshll.u32 @p0 s5, $0x11  }
0xb0: {  	s6 =	sor.u32 @p0 s7, s6  }
0xb1: {  	[sflag:s6] =	ssyncadd.remote.s32 @p0 $0x1;
	_ =	sdelay $0x1  }
0xb2: {  	s6 =	simm.s32 @p0 $0x1B8D  }
0xb3: {  	_ =	swait.eq @p0 [sflag:s6], $0x1  }
0xb4: {  	[sflag:s6] =	ssyncadd.s32 @p0 $0xFFFFFFFF  }
0xb5: {  	s7 =	sshll.u32 @!p0 s1, $0xE  }
0xb6: {  	s7 =	sor.u32 @!p0 $0x4000, s7;
	s6 =	simm.s32 @!p0 $0x1B8D  }
0xb7: {  	s5 =	sshll.u32 @!p0 s5, $0x11;
	s7 =	sadd.s32 @!p0 $0x11B8D, s7;
	_ =	swait.eq @!p0 [sflag:s6], $0x1  }
0xb8: {  	s5 =	sor.u32 @!p0 s5, s7;
	[sflag:s6] =	ssyncadd.s32 @!p0 $0xFFFFFFFF  }
0xb9: {  	s25 =	simm.s32 $0x1B8E;
	s24 =	sld [smem:$0x3FFE];
	[sflag:s5] =	ssyncadd.remote.s32 @!p0 $0x1  }
0xba: {  	s26 =	simm.s32 $execute0_lowered;
	[smem:$0x3FD2] =	sst s25  }
0xbb: {  	s6 =	sshll.u32 s26, $0x1;
	_ =	strace $0x80000049;
	[dreg:$0x1] =	wrdreg $0xFFFFFFFF  }
0xbc: {  	s28 =	simm.s32 $_size_execute0_lowered;
	s4 =	sadd.s32 s4, s6;
	[dreg:$0x0] =	wrdreg $0x0  }
0xbd: {  	s6 =	sshll.u32 s28, $0x1;
	[dreg:$0x2] =	wrdreg s4  }
0xbe: {  	[dreg:$0x3] =	wrdreg s6  }
0xbf: {  	[dreg:$0x4] =	wrdreg $0xC0  }
0xc0: {  	_ =	task [dreg:s22], $0x5FFFF  }
0xc1: {  	[dreg:$0x1] =	wrdreg $0xFFFFFFFF  }
0xc2: {  	[dreg:$0x0] =	wrdreg $0x60  }
0xc3: {  	[dreg:$0x2] =	wrdreg s24  }
0xc4: {  	[dreg:$0x3] =	wrdreg s17  }
0xc5: {  	[dreg:$0x4] =	wrdreg $0xB  }
0xc6: {  	_ =	task.clear_ibuf [dreg:s22], $0x5FFFF;
	_ =	strace $0x90000049  }
0xc7: {  	s29 =	simm.s32 $0xB;
	_ =	strace $0x8000004B  }
0xc8: {  	_ =	swait.ge [sflag:s29], $0x1  }
0xc9: {  	[sflag:s29] =	ssyncadd.s32 $0xFFFFFFFF  }
0xca: {  	_ =	strace $0x9000004B  }
0xcb: {  	_ =	sfence  }
0xcc: {  	s30 =	sld [smem:$0x0];
	_ =	sdelay $0x2  }
0xcd: {  	s31 =	sshll.u32 s1, $0xD;
	s1 =	sshrl.u32 s1, $0x2  }
0xce: {  	s4 =	sand.u32 $0x4000, s31;
	s1 =	sadd.s32 s1, s30  }
0xcf: {  	s0 =	sor.u32 s4, s0;
	s1 =	sshll.u32 s1, $0x11  }
0xd0: {  	s0 =	sor.u32 s1, s0  }
0xd1: {  	s0 =	sadd.s32 $0x8F2B, s0  }
0xd2: {  	[sflag:s0] =	ssyncadd.remote.s32 $0x1  }
0xd3: {  	_ =	sfence.sel $0xFFFF  }
0xd4: {  	[dreg:$0x0] =	wrdreg $0xFFFFFFFF;
	(pc) =	sbr.abs _section_cstart, $3  }
0xd5: {  	[dreg:$0x1] =	wrdreg $0xFFFFFFFF  }
0xd6: {  	_ =	task.clear_ibuf [dreg:s22], $0x2FFFF;
	_ =	strace $0x9FFFFFFF  }
0xd7: {  	(tm) =	ssettm $0x7FFFFFFF  }
tec
execute0_lowered:
.L_overlay_start_1:
0x0: {  	(tag) =	ssettag $0x1  }
0x1: {  	s3 =	rddreg [dreg:$0x0];
	s1 =	srdreg.scid  }
0x2: {  	s0 =	stileid.u32;
	s7 =	rddreg [dreg:$0x1]  }
0x3: {  	s2 =	simm.s32 $0x0;
	s12 =	simm.s32 $0x640;
	s13 =	simm.s32 $0x1040  }
0x4: {  	s14 =	simm.s32 $0x1;
	s15 =	simm.s32 $0x3;
	s16 =	simm.s32 $0x2  }
0x5: {  	s17 =	simm.s32 $0x4;
	s18 =	simm.s32 $0x0;
	s10 =	smul.u32 $0xC80, s0  }
0x6: {  	s6 =	sand.u32 $0x1, s1;
	s1 =	rddreg [dreg:$0x2];
	s30 =	smul.u32 $0x3200, s0  }
0x7: {  	s4 =	sshll.u32 s0, $0x1;
	[smem:$0x7FF] =	sst s2;
	s11 =	smul.u32 $0x640, s6  }
0x8: {  	s4 =	sor.u32 s6, s4;
	s28 =	ssub.s32 $0x2, s6;
	s31 =	smul.u32 $0x1900, s6  }
0x9: {  	_ =	strace $0x8000004A;
	s8 =	smul.u32 $0x640, s4;
	s9 =	sshrl.u32 s28, $0x1  }
0xa: {  	s9 =	ssub.s32 s28, s9;
	s29 =	sadd.s32 s11, s10;
	s10 =	sadd.s32 s30, s7  }
0xb: {  	s11 =	simm.s32 $0x50;
	s5 =	sshrl.u32 s8, $0x3;
	s8 =	sshll.u32 s8, $0x2  }
0xc: {  	s5 =	sadd.s32 s5, s3;
	s3 =	sadd.s32 $0x193A00, s3;
	s8 =	sadd.s32 s7, s8  }
0xd: {  	s4 =	sadd.s32 $0x192000, s5;
	s5 =	smax.u32 s9, $0x1;
	s9 =	sshll.u32 s29, $0x2  }
0xe: {  	s6 =	sadd.s32 $0x1680, s8;
	s9 =	sadd.s32 s7, s9;
	s7 =	sadd.s32 $0x17C0, s8  }
0xf: {  	s8 =	sadd.s32 $0x140, s9;
	s9 =	sadd.s32 s31, s10;
	s10 =	simm.s32 $0x5  }
.LBB2_1:
0x10: {  	[tilespmem:s2], [sflag:$0x5] =	stream.linear.gather [hbm4b:s4+s2], $0x640, $0x38;
	[tilespmem:$0x1A40] =	vst v63  }
0x11: {  	_ =	swait.ge [sflag:s10], $0x640  }
0x12: {  	[sflag:s10] =	ssyncset.done $0x0  }
0x13: {  	[sflag:s10] =	ssyncadd.s32 $0xFFFFF9C0  }
0x14: {  	[tilespmem:s12], [sflag:$0x1] =	stream.indirect.gather [hbm4b:s3+s11], $0x20, s2, s11, $0xb8;
	[tilespmem:$0x1A40] =	vst v63  }
0x15: {  	_ = 	snop  }
0x16: {  	[tilespmem:s13], [sflag:$0x2] =	stream.indirect.gather [hbm4b:s3+s11], $0x20, s11, s11, $0xb8;
	[tilespmem:$0x1A40] =	vst v63  }
0x17: {  	_ =	swait.ge [sflag:s14], $0xA00  }
0x18: {  	[sflag:s14] =	ssyncset.done $0x0  }
0x19: {  	s19 =	sadd.s32 $0x0, s9;
	[sflag:s14] =	ssyncadd.s32 $0xFFFFF600  }
0x1a: {  	[hbm4b:s19+s2] =	stream.linear.scatter [tilespmem:s12], [sflag:$0x3], $0xA00, $0x38;
	[tilespmem:$0x1A40] =	vst v63  }
0x1b: {  	_ =	swait.ge [sflag:s15], $0xA00  }
0x1c: {  	[sflag:s15] =	ssyncset.done $0x0  }
0x1d: {  	s30 =	simm.s32 $0xA0;
	[sflag:s15] =	ssyncadd.s32 $0xFFFFF600  }
0x1e: {  	[tilespmem:s12], [sflag:$0x1] =	stream.indirect.gather [hbm4b:s3+s11], $0x20, s30, s11, $0xb8;
	[tilespmem:$0x1A40] =	vst v63  }
0x1f: {  	_ =	swait.ge [sflag:s16], $0xA00  }
0x20: {  	[sflag:s16] =	ssyncset.done $0x0  }
0x21: {  	s31 =	sadd.s32 $0x0, s8;
	[sflag:s16] =	ssyncadd.s32 $0xFFFFF600  }
0x22: {  	[hbm4b:s31+s2] =	stream.linear.scatter [tilespmem:s13], [sflag:$0x4], $0xA00, $0x38;
	[tilespmem:$0x1A40] =	vst v63  }
0x23: {  	_ =	swait.ge [sflag:s17], $0xA00  }
0x24: {  	[sflag:s17] =	ssyncset.done $0x0  }
0x25: {  	s20 =	simm.s32 $0xF0;
	s19 =	simm.s32 $0x280;
	[sflag:s17] =	ssyncadd.s32 $0xFFFFF600  }
.LBB2_2:
0x26: {  	[tilespmem:s13], [sflag:$0x2] =	stream.indirect.gather [hbm4b:s3+s11], $0x20, s20, s11, $0xb8;
	[tilespmem:$0x1A40] =	vst v63  }
0x27: {  	s20 =	smov.u32 s19  }
0x28: {  	p0 =	sne.s32 s19, $0x1400;
	s19 =	sadd.s32 $0x280, s19;
	_ =	swait.ge [sflag:s14], $0xA00  }
0x29: {  	[sflag:s14] =	ssyncset.done $0x0  }
0x2a: {  	s21 =	sadd.s32 s20, s9;
	[sflag:s14] =	ssyncadd.s32 $0xFFFFF600  }
0x2b: {  	[hbm4b:s21+s2] =	stream.linear.scatter [tilespmem:s12], [sflag:$0x3], $0xA00, $0x38;
	[tilespmem:$0x1A40] =	vst v63  }
0x2c: {  	_ =	swait.ge [sflag:s15], $0xA00  }
0x2d: {  	s21 =	sshra.s32 s20, $0x2;
	[sflag:s15] =	ssyncset.done $0x0  }
0x2e: {  	s22 =	sadd.s32 $0xA0, s21;
	[sflag:s15] =	ssyncadd.s32 $0xFFFFF600  }
0x2f: {  	[tilespmem:s12], [sflag:$0x1] =	stream.indirect.gather [hbm4b:s3+s11], $0x20, s22, s11, $0xb8;
	[tilespmem:$0x1A40] =	vst v63  }
0x30: {  	_ =	swait.ge [sflag:s16], $0xA00  }
0x31: {  	[sflag:s16] =	ssyncset.done $0x0  }
.Ltmp0:
0x32: {  	s20 =	sadd.s32 s20, s8;
	[sflag:s16] =	ssyncadd.s32 $0xFFFFF600;
	(pc) =	sbr.rel @p0 .LBB2_2-.Ltmp0, $4  }
0x33: {  	[hbm4b:s20+s2] =	stream.linear.scatter [tilespmem:s13], [sflag:$0x4], $0xA00, $0x38;
	[tilespmem:$0x1A40] =	vst v63  }
0x34: {  	_ =	swait.ge [sflag:s17], $0xA00  }
0x35: {  	[sflag:s17] =	ssyncset.done $0x0  }
0x36: {  	s20 =	sadd.s32 $0xF0, s21;
	[sflag:s17] =	ssyncadd.s32 $0xFFFFF600  }
0x37: {  	[tilespmem:s13], [sflag:$0x2] =	stream.indirect.gather [hbm4b:s3+s11], $0x20, s20, s11, $0xb8;
	[tilespmem:$0x1A40] =	vst v63  }
0x38: {  	_ =	swait.ge [sflag:s14], $0xA00  }
0x39: {  	[sflag:s14] =	ssyncset.done $0x0  }
0x3a: {  	[sflag:s14] =	ssyncadd.s32 $0xFFFFF600  }
0x3b: {  	[hbm4b:s6+s2] =	stream.linear.scatter [tilespmem:s12], [sflag:$0x3], $0xA00, $0x38;
	[tilespmem:$0x1A40] =	vst v63  }
0x3c: {  	_ =	swait.ge [sflag:s15], $0xA00  }
0x3d: {  	[sflag:s15] =	ssyncset.done $0x0  }
0x3e: {  	[sflag:s15] =	ssyncadd.s32 $0xFFFFF600  }
0x3f: {  	s18 =	sadd.s32 $0x1, s18;
	_ =	swait.ge [sflag:s16], $0xA00  }
0x40: {  	p0 =	sne.s32 s18, s5;
	[sflag:s16] =	ssyncset.done $0x0  }
.Ltmp1:
0x41: {  	[sflag:s16] =	ssyncadd.s32 $0xFFFFF600;
	(pc) =	sbr.rel @p0 .LBB2_1-.Ltmp1, $4  }
0x42: {  	[hbm4b:s7+s2] =	stream.linear.scatter [tilespmem:s13], [sflag:$0x4], $0xA00, $0x38;
	[tilespmem:$0x1A40] =	vst v63  }
0x43: {  	_ =	swait.ge [sflag:s17], $0xA00  }
0x44: {  	[sflag:s17] =	ssyncset.done $0x0  }
0x45: {  	[sflag:s17] =	ssyncadd.s32 $0xFFFFF600  }
0x46: {  	_ =	sfence.sel $0x180000  }
0x47: {  	[bflag:$0x0] =	sbarrier.arrive $0xFFFF  }
0x48: {  	p0 =	sne.s32 s0, $0x0;
	_ =	strace $0x9000004A  }
0x49: {  	s0 =	sadd.s32 @!p0 $0x100000, s1;
	[bflag:$0x2] =	sbarrier.arrive $0xFFFF  }
0x4a: {  	[sflag:s0] =	ssyncadd.tile.s32 @!p0 $0x1;
	_ =	shalt  }
.Lfunc_end2:
_tile_overlayer_lowered:
.L_overlay_start_2:
0x4b: {  	(tag) =	ssettag $0x2  }
0x4c: {  	s0 =	rddreg [dreg:$0x0];
	s2 =	stileid.u32  }
0x4d: {  	s1 =	rddreg [dreg:$0x1];
	p0 =	sne.s32 s2, $0x0  }
0x4e: {  	s3 =	rddreg [dreg:$0x2];
	[bflag:$0x3] =	sbarrier.arrive $0xFFFF;
	s2 =	simm.s32 @!p0 $0x1C05  }
0x4f: {  	[timem:s3], [sflag:s2] =	dma.local @!p0 [hbm:s0], s1  }
0x50: {  	s0 =	simm.s32 @!p0 $0x5  }
0x51: {  	_ =	swait.ge @!p0 [sflag:s0], s1  }
0x52: {  	s1 =	ssub.s32 @!p0 $0x0, s1;
	[sflag:s0] =	ssyncset.done @!p0 $0x0  }
0x53: {  	[sflag:s0] =	ssyncadd.s32 @!p0 s1  }
0x54: {  	[bflag:$0x3] =	sbarrier.arrive $0xFFFF  }
0x55: {  	_ =	shalt  }

// kernel: kernel.8.cloned.1.call-start
scs
__scs_entry_jumppad:
0x0: {  	(pc) =	sbr.rel $0x88, $3  }
0x1: {  	(tag) =	ssettag $0x0;
	lr =	simm.s32 $0x1  }
0x2: {  	[smem:$0x3F9E] =	sst lr;
	_ =	strace $0xD0000000  }
0x3: {  	_ = 	snop  }
0x4: {  	_ = 	snop  }
0x5: {  	_ = 	snop  }
0x6: {  	_ = 	snop  }
0x7: {  	_ = 	snop  }
__scs_overlays_trampoline_lowered:
0x8: {  	[smem:$0x3FAD] =	sst s0  }
0x9: {  	[smem:$0x3FAE] =	sst s1  }
0xa: {  	[smem:$0x3FAF] =	sst s2  }
0xb: {  	[smem:$0x3FB0] =	sst s3  }
0xc: {  	[smem:$0x3FB1] =	sst s4  }
0xd: {  	[smem:$0x3FB2] =	sst s5  }
0xe: {  	[smem:$0x3FB3] =	sst s6  }
0xf: {  	[smem:$0x3FB4] =	sst s7  }
0x10: {  	[smem:$0x3FB5] =	sst s8  }
0x11: {  	[smem:$0x3FB6] =	sst s9;
	s0 =	simm.s32 @!p0 $0x0  }
0x12: {  	s1 =	sld [smem:$0x3F9C];
	s0 =	simm.s32 @p0 $0x1  }
0x13: {  	[smem:$0x3FB7] =	sst s0;
	s0 =	simm.s32 @!p1 $0x0  }
0x14: {  	s2 =	sld [smem:$0x3F9B];
	s0 =	simm.s32 @p1 $0x1  }
0x15: {  	[smem:$0x3FB8] =	sst s0;
	s0 =	simm.s32 @!p2 $0x0  }
0x16: {  	s3 =	sld [smem:$0x3FDB];
	s0 =	simm.s32 @p2 $0x1  }
0x17: {  	s4 =	simm.s32 $0x1BF5;
	[smem:$0x3FBA] =	sst s0  }
0x18: {  	s0 =	sld [smem:$0x3F9D];
	_ =	swait.ge [sflag:s4], $0x0  }
0x19: {  	s7 =	sld [smem:$0x3F9E]  }
0x1a: {  	s8 =	sadd.s32 $0xFFFFE003, lr  }
0x1b: {  	s9 =	sadd.s32 $0xFFFFFEF7, lr;
	s5 =	simm.s32 $0xFFFFFFFF;
	p2 =	slt.u32 s8, $0xFFFFF086  }
0x1c: {  	p1 =	slt.u32 s9, $0xF7A;
	s5 =	simm.s32 @!p2 $0x0  }
0x1d: {  	s5 =	simm.s32 @p1 $0x1;
	p0 =	seq.s32 s7, s2  }
0x1e: {  	s7 =	smul.u32 @!p0 $0xF7A, s2;
	p2 =	seq.s32 @!p0 s5, $0x0  }
0x1f: {  	s9 =	smul.u32 $0xF7A, s1;
	s8 =	simm.s32 @!p0 $0x1BF5;
	p2 =	por !p2, p0  }
0x20: {  	[sflag:s8] =	ssyncset.s32 @!p0 $0xFFFFF086;
	s6 =	sadd.s32 @!p0 s3, s7;
	s7 =	simm.s32 @!p0 $0x108  }
0x21: {  	s3 =	sadd.s32 s3, s9;
	s6 =	sadd.s32 @!p0 $0x88, s6;
	s7 =	simm.s32 @p2 $0x1082  }
0x22: {  	[simem:s7], [sflag:s8] =	dma.local @!p0 [hbm:s6], $0xF7A  }
0x23: {  	s9 =	sor.u32 $0xD0000000, s2;
	s6 =	simm.s32 $0x108;
	_ =	swait.ge @!p0 [sflag:s8], $0x0  }
0x24: {  	s3 =	sadd.s32 $0x88, s3;
	s6 =	simm.s32 @!p1 $0x1082;
	[sflag:s4] =	ssyncset.s32 $0xFFFFF086  }
0x25: {  	[simem:s6], [sflag:s4] =	dma.local [hbm:s3], $0xF7A  }
0x26: {  	[smem:$0x3F9E] =	sst s1;
	(tag) =	ssettag s2;
	_ =	strace s9  }
0x27: {  	s1 =	sld [smem:$0x3FAE]  }
0x28: {  	s2 =	sld [smem:$0x3FAF]  }
0x29: {  	s4 =	sld [smem:$0x3FB1]  }
0x2a: {  	p0 =	seq.s32 s5, $0x0;
	s5 =	sld [smem:$0x3FB2]  }
0x2b: {  	s6 =	sld [smem:$0x3FB3]  }
0x2c: {  	s7 =	sld [smem:$0x3FB4]  }
0x2d: {  	s3 =	simm.s32 $0x108;
	s8 =	sld [smem:$0x3FB5]  }
0x2e: {  	s3 =	simm.s32 @!p0 $0x1082;
	s9 =	sld [smem:$0x3FB6]  }
0x2f: {  	lr =	sadd.s32 s0, s3;
	s0 =	sld [smem:$0x3FAD]  }
0x30: {  	s3 =	sld [smem:$0x3FB0]  }
0x31: {  	[smem:$0x3FB9] =	sst s10  }
0x32: {  	s10 =	sld [smem:$0x3FB7];
	_ =	sdelay $0x3  }
0x33: {  	p0 =	seq.s32 s10, $0x1;
	s10 =	sld [smem:$0x3FB9];
	_ =	sdelay $0x3  }
0x34: {  	[smem:$0x3FB9] =	sst s10  }
0x35: {  	s10 =	sld [smem:$0x3FB8];
	_ =	sdelay $0x3  }
0x36: {  	p1 =	seq.s32 s10, $0x1;
	s10 =	sld [smem:$0x3FB9];
	_ =	sdelay $0x3  }
0x37: {  	[smem:$0x3FB9] =	sst s10  }
0x38: {  	s10 =	sld [smem:$0x3FBA]  }
0x39: {  	_ = 	snop;
	(pc) =	sbr.ind lr, $3  }
0x3a: {  	_ = 	snop  }
0x3b: {  	_ = 	snop  }
0x3c: {  	p2 =	seq.s32 s10, $0x1;
	s10 =	sld [smem:$0x3FB9]  }
0x3d: {  	_ =	shalt  }
0x3e: {  	_ =	shalt  }
0x3f: {  	_ =	shalt  }
0x40: {  	_ =	shalt  }
0x41: {  	_ =	shalt  }
0x42: {  	_ =	shalt  }
0x43: {  	_ =	shalt  }
0x44: {  	_ =	shalt  }
0x45: {  	_ =	shalt  }
0x46: {  	_ =	shalt  }
0x47: {  	_ =	shalt  }
0x48: {  	_ =	shalt  }
0x49: {  	_ =	shalt  }
0x4a: {  	_ =	shalt  }
0x4b: {  	_ =	shalt  }
0x4c: {  	_ =	shalt  }
0x4d: {  	_ =	shalt  }
0x4e: {  	_ =	shalt  }
0x4f: {  	_ =	shalt  }
0x50: {  	_ =	shalt  }
0x51: {  	_ =	shalt  }
0x52: {  	_ =	shalt  }
0x53: {  	_ =	shalt  }
0x54: {  	_ =	shalt  }
0x55: {  	_ =	shalt  }
0x56: {  	_ =	shalt  }
0x57: {  	_ =	shalt  }
0x58: {  	_ =	shalt  }
0x59: {  	_ =	shalt  }
0x5a: {  	_ =	shalt  }
0x5b: {  	_ =	shalt  }
0x5c: {  	_ =	shalt  }
0x5d: {  	_ =	shalt  }
0x5e: {  	_ =	shalt  }
0x5f: {  	_ =	shalt  }
0x60: {  	_ =	shalt  }
0x61: {  	_ =	shalt  }
0x62: {  	_ =	shalt  }
0x63: {  	_ =	shalt  }
0x64: {  	_ =	shalt  }
0x65: {  	_ =	shalt  }
0x66: {  	_ =	shalt  }
0x67: {  	_ =	shalt  }
0x68: {  	_ =	shalt  }
0x69: {  	_ =	shalt  }
0x6a: {  	_ =	shalt  }
0x6b: {  	_ =	shalt  }
0x6c: {  	_ =	shalt  }
0x6d: {  	_ =	shalt  }
0x6e: {  	_ =	shalt  }
0x6f: {  	_ =	shalt  }
0x70: {  	_ =	shalt  }
0x71: {  	_ =	shalt  }
0x72: {  	_ =	shalt  }
0x73: {  	_ =	shalt  }
0x74: {  	_ =	shalt  }
0x75: {  	_ =	shalt  }
0x76: {  	_ =	shalt  }
0x77: {  	_ =	shalt  }
0x78: {  	_ =	shalt  }
0x79: {  	_ =	shalt  }
0x7a: {  	_ =	shalt  }
0x7b: {  	_ =	shalt  }
0x7c: {  	_ =	shalt  }
0x7d: {  	_ =	shalt  }
0x7e: {  	_ =	shalt  }
0x7f: {  	_ =	shalt  }
0x80: {  	_ =	shalt  }
0x81: {  	_ =	shalt  }
0x82: {  	_ =	shalt  }
0x83: {  	_ =	shalt  }
0x84: {  	_ =	shalt  }
0x85: {  	_ =	shalt  }
0x86: {  	_ =	shalt  }
0x87: {  	_ =	shalt  }
.Lfunc_end0:
.L_simem_size_0:
called_computation_lowered:
.L_overlay_start_0:
0x88: {  	s2 =	sld [smem:$0x3FD9]  }
0x89: {  	s3 =	sld [smem:$0x3FFE];
	_ =	sdelay $0x1  }
0x8a: {  	s1 =	srdreg.scid  }
0x8b: {  	s0 =	sand.u32 $0x1, s1  }
0x8c: {  	s17 =	sshll.u32 s0, $0xA;
	s2 =	sadd.s32 s3, s2  }
0x8d: {  	s2 =	sadd.s32 s2, s17  }
0x8e: {  	[smem:$0x3FC5] =	sst s2  }
0x8f: {  	_ = 	snop  }
0x90: {  	s2 =	sld [smem:$0x3FC7];
	(tm) =	ssettm $0x1  }
0x91: {  	s18 =	sld [smem:$0x3FFB];
	_ =	sdelay $0x3  }
0x92: {  	_ =	strace s18  }
0x93: {  	s3 =	sld [smem:$0x3FFC];
	_ =	sdelay $0x3  }
0x94: {  	_ =	strace s3  }
0x95: {  	s3 =	sld [smem:$0x3FFD];
	_ =	sdelay $0x3  }
0x96: {  	_ =	strace s3  }
0x97: {  	_ =	strace $0x8FFFFFFF  }
0x98: {  	s19 =	sld [smem:$0x3FDB];
	_ =	sdelay $0x1  }
0x99: {  	s4 =	simm.s32 $_scs_section_size  }
0x9a: {  	s5 =	simm.s32 $_size__tile_overlayer_lowered;
	s6 =	simm.s32 $_tile_overlayer_lowered  }
0x9b: {  	s22 =	simm.s32 $0x1BFF;
	s21 =	sshll.u32 s6, $0x1;
	s3 =	sadd.s32 s4, s19  }
0x9c: {  	s7 =	simm.s32 $0x0;
	s20 =	sshll.u32 s5, $0x1;
	s5 =	sadd.s32 s21, s3  }
0x9d: {  	[timem:s7], [sflag:s22] =	dma.local [hbm:s5], s20  }
0x9e: {  	_ =	swait.ge [sflag:s22], s20  }
0x9f: {  	s4 =	ssub.s32 $0x0, s20;
	[sflag:s22] =	ssyncset.done $0x0  }
0xa0: {  	[sflag:s22] =	ssyncadd.s32 s4;
	_ =	sdelay $0x1  }
0xa1: {  	s23 =	simm.s32 $0x1B8B  }
0xa2: {  	_ =	swait.ge [sflag:s23], $0x1  }
0xa3: {  	[sflag:s23] =	ssyncset.done $0x0  }
0xa4: {  	s25 =	simm.s32 $0x1B8E;
	s24 =	sld [smem:$0x3FFE];
	[sflag:s23] =	ssyncadd.s32 $0xFFFFFFFF  }
0xa5: {  	s26 =	simm.s32 $execute0_lowered;
	[smem:$0x3FD2] =	sst s25  }
0xa6: {  	s5 =	sshll.u32 s26, $0x1;
	_ =	strace $0x80000046;
	[dreg:$0x1] =	wrdreg $0xFFFFFFFF  }
0xa7: {  	s28 =	simm.s32 $_size_execute0_lowered;
	s3 =	sadd.s32 s3, s5;
	[dreg:$0x0] =	wrdreg $0x0  }
0xa8: {  	s5 =	sshll.u32 s28, $0x1;
	[dreg:$0x2] =	wrdreg s3  }
0xa9: {  	[dreg:$0x3] =	wrdreg s5  }
0xaa: {  	[dreg:$0x4] =	wrdreg $0xC0  }
0xab: {  	_ =	task [dreg:s7], $0x5FFFF  }
0xac: {  	[dreg:$0x1] =	wrdreg $0xFFFFFFFF  }
0xad: {  	[dreg:$0x0] =	wrdreg $0x60  }
0xae: {  	[dreg:$0x2] =	wrdreg s24  }
0xaf: {  	[dreg:$0x3] =	wrdreg s2  }
0xb0: {  	[dreg:$0x4] =	wrdreg $0x9  }
0xb1: {  	_ =	task.clear_ibuf [dreg:s7], $0x5FFFF;
	_ =	strace $0x90000046  }
0xb2: {  	s29 =	simm.s32 $0x9;
	_ =	strace $0x80000048  }
0xb3: {  	_ =	swait.ge [sflag:s29], $0x1  }
0xb4: {  	[sflag:s29] =	ssyncadd.s32 $0xFFFFFFFF  }
0xb5: {  	_ =	strace $0x90000048  }
0xb6: {  	_ =	sfence  }
0xb7: {  	s30 =	sld [smem:$0x0];
	_ =	sdelay $0x2  }
0xb8: {  	s31 =	sshll.u32 s1, $0xD;
	s1 =	sshrl.u32 s1, $0x2  }
0xb9: {  	s3 =	sand.u32 $0x4000, s31;
	s1 =	sadd.s32 s1, s30  }
0xba: {  	s0 =	sor.u32 s3, s0;
	s1 =	sshll.u32 s1, $0x11  }
0xbb: {  	s0 =	sor.u32 s1, s0  }
0xbc: {  	s0 =	sadd.s32 $0x8F2B, s0  }
0xbd: {  	[sflag:s0] =	ssyncadd.remote.s32 $0x1  }
0xbe: {  	_ =	sfence.sel $0xFFFF  }
0xbf: {  	[dreg:$0x0] =	wrdreg $0xFFFFFFFF;
	(pc) =	sbr.abs _section_cstart, $3  }
0xc0: {  	[dreg:$0x1] =	wrdreg $0xFFFFFFFF  }
0xc1: {  	_ =	task.clear_ibuf [dreg:s7], $0x2FFFF;
	_ =	strace $0x9FFFFFFF  }
0xc2: {  	(tm) =	ssettm $0x7FFFFFFF  }
0xc3: {  	_ =	shalt  }
tec
execute0_lowered:
.L_overlay_start_1:
0x0: {  	(tag) =	ssettag $0x1  }
0x1: {  	s0 =	rddreg [dreg:$0x0]  }
0x2: {  	s1 =	srdreg.scid;
	s5 =	stileid.u32  }
0x3: {  	s2 =	rddreg [dreg:$0x1];
	s3 =	simm.s32 $0x0;
	s9 =	simm.s32 $0x380  }
0x4: {  	s30 =	simm.s32 $0xA380;
	s8 =	simm.s32 $0xD380;
	s10 =	simm.s32 $0xDB80  }
0x5: {  	s11 =	simm.s32 $0xE380;
	s12 =	simm.s32 $0xEB80;
	s13 =	simm.s32 $0xF380  }
0x6: {  	s14 =	simm.s32 $0xFB80;
	s15 =	simm.s32 $0x10380;
	s16 =	simm.s32 $0x10B80  }
0x7: {  	s17 =	simm.s32 $0x11380;
	s18 =	simm.s32 $0x11B80;
	s19 =	simm.s32 $0x12380  }
0x8: {  	s20 =	simm.s32 $0x12B80;
	s21 =	simm.s32 $0x13380;
	s22 =	simm.s32 $0x13B80  }
0x9: {  	s23 =	simm.s32 $0x1;
	s24 =	simm.s32 $0x3;
	s25 =	simm.s32 $0x2  }
0xa: {  	s26 =	simm.s32 $0x4;
	s1 =	sand.u32 $0x1, s1;
	s4 =	sshll.u32 s5, $0x1  }
0xb: {  	s5 =	smul.u32 $0x19000, s5;
	s4 =	sor.u32 s1, s4;
	s6 =	ssub.s32 $0x2, s1  }
0xc: {  	[smem:$0x7FF] =	sst s3;
	s4 =	smul.u32 $0x320, s4;
	s7 =	sshrl.u32 s6, $0x1  }
0xd: {  	_ =	strace $0x80000047;
	s1 =	smul.u32 $0xC800, s1;
	s6 =	ssub.s32 s6, s7  }
.Ltmp0:
0xe: {  	s4 =	sshrl.u32 s4, $0x3;
	s31 =	smax.u32 s6, $0x1;
	(pc) =	sbr.rel .LBB2_1-.Ltmp0, $4  }
0xf: {  	s6 =	simm.s32 $0xCB80;
	s4 =	sadd.s32 s4, s0;
	s0 =	sadd.s32 s5, s0  }
0x10: {  	v2 =	vlaneseq.u32;
	s5 =	sadd.s32 $0x100, s2;
	[dreg:$0x4] =	wrdreg s31;
	s4 =	sadd.s32 $0x1200, s4  }
0x11: {  	vm0 =	vmmov $0xffff;
	v1 =	vshrl.u32 v2, $0x3;
	s0 =	sadd.s32 s1, s0;
	s1 =	simm.s32 $0x0;
	[dreg:$0x3] =	wrdreg s4  }
0x12: {  	v0 =	vand.u32 $0x7, v2;
	v2 =	vor.u32 $0x8, v2;
	v1 =	vmul.u32 $0x8, v1;
	s7 =	sadd.s32 $0x2000, s0;
	s0 =	simm.s32 $0xBB80;
	s4 =	simm.s32 $0xC380  }
.LBB2_6:
0x13: {  	s1 =	rddreg [dreg:$0x5]  }
0x14: {  	s28 =	rddreg [dreg:$0x4];
	s1 =	sadd.s32 $0x1, s1  }
0x15: {  	p0 =	sne.s32 s1, s28  }
.Ltmp1:
0x16: {  	_ = 	snop;
	(pc) =	sbr.rel @!p0 .LBB2_7-.Ltmp1, $1  }
0x17: {  	_ =	sdelay $0x3  }
.LBB2_1:
0x18: {  	s28 =	rddreg [dreg:$0x3]  }
0x19: {  	[tilespmem:s3], [sflag:$0x5] =	stream.linear.gather [hbm4b:s28+s3], $0x320, $0x38;
	[tilespmem:$0x14380] =	vst v63  }
0x1a: {  	[dreg:$0x5] =	wrdreg s1;
	s28 =	simm.s32 $0x5  }
0x1b: {  	_ =	swait.ge [sflag:s28], $0x320  }
0x1c: {  	[sflag:s28] =	ssyncset.done $0x0  }
0x1d: {  	[sflag:s28] =	ssyncadd.s32 $0xFFFFFCE0  }
0x1e: {  	v3 =	vld [tilespmem:$0x0];
	_ =	sdelay $0x4  }
0x1f: {  	v4 =	vshll.u32 v3, $0x2  }
0x20: {  	v3 =	vand.u32 $0x7, v3;
	v4 =	vand.u32 $0xFFFFFFE0, v4  }
0x21: {  	v3 =	vor.u32 v3, v4  }
0x22: {  	v4 =	vperm.xlane v3, v0;
	_ =	sdelay $0x1  }
0x23: {  	v4 =	vadd.s32 v1, v4;
	_ =	sdelay $0x1  }
0x24: {  	v3 =	vperm.xlane v3, v2;
	_ =	sdelay $0x1  }
0x25: {  	v3 =	vadd.s32 v1, v3  }
0x26: {  	[tilespmem:s9], [sflag:$0x1] =	stream.indirect_vreg.gather [hbm4b:s2+s3], $0x80, v4, vm0, $0xb8;
	[tilespmem:$0x14380] =	vst v63  }
0x27: {  	s28 =	simm.s32 $0xB80  }
0x28: {  	[tilespmem:s28], [sflag:$0x1] =	stream.indirect_vreg.gather [hbm4b:s5+s3], $0x80, v4, vm0, $0xb8;
	[tilespmem:$0x14380] =	vst v63  }
0x29: {  	s31 =	simm.s32 $0x1380  }
0x2a: {  	[tilespmem:s31], [sflag:$0x1] =	stream.indirect_vreg.gather [hbm4b:s2+s3], $0x80, v3, vm0, $0xb8;
	[tilespmem:$0x14380] =	vst v63  }
0x2b: {  	s31 =	simm.s32 $0x1B80  }
0x2c: {  	[tilespmem:s31], [sflag:$0x1] =	stream.indirect_vreg.gather [hbm4b:s5+s3], $0x80, v3, vm0, $0xb8;
	[tilespmem:$0x14380] =	vst v63  }
0x2d: {  	v3 =	vld [tilespmem:$0x10];
	_ =	sdelay $0x4  }
0x2e: {  	v55 =	vshll.u32 v3, $0x2  }
0x2f: {  	v3 =	vand.u32 $0x7, v3;
	v4 =	vand.u32 $0xFFFFFFE0, v55  }
0x30: {  	v3 =	vor.u32 v3, v4  }
0x31: {  	v4 =	vperm.xlane v3, v0;
	_ =	sdelay $0x1  }
0x32: {  	v4 =	vadd.s32 v1, v4;
	_ =	sdelay $0x1  }
0x33: {  	v3 =	vperm.xlane v3, v2;
	_ =	sdelay $0x1  }
0x34: {  	s31 =	simm.s32 $0x2380;
	v3 =	vadd.s32 v1, v3  }
0x35: {  	[tilespmem:s31], [sflag:$0x1] =	stream.indirect_vreg.gather [hbm4b:s2+s3], $0x80, v4, vm0, $0xb8;
	[tilespmem:$0x14380] =	vst v63  }
0x36: {  	s31 =	simm.s32 $0x2B80  }
0x37: {  	[tilespmem:s31], [sflag:$0x1] =	stream.indirect_vreg.gather [hbm4b:s5+s3], $0x80, v4, vm0, $0xb8;
	[tilespmem:$0x14380] =	vst v63  }
0x38: {  	s31 =	simm.s32 $0x3380  }
0x39: {  	[tilespmem:s31], [sflag:$0x1] =	stream.indirect_vreg.gather [hbm4b:s2+s3], $0x80, v3, vm0, $0xb8;
	[tilespmem:$0x14380] =	vst v63  }
0x3a: {  	s31 =	simm.s32 $0x3B80  }
0x3b: {  	[tilespmem:s31], [sflag:$0x1] =	stream.indirect_vreg.gather [hbm4b:s5+s3], $0x80, v3, vm0, $0xb8;
	[tilespmem:$0x14380] =	vst v63  }
0x3c: {  	v3 =	vld [tilespmem:$0x20];
	_ =	sdelay $0x4  }
0x3d: {  	v56 =	vshll.u32 v3, $0x2  }
0x3e: {  	v3 =	vand.u32 $0x7, v3;
	v4 =	vand.u32 $0xFFFFFFE0, v56  }
0x3f: {  	v3 =	vor.u32 v3, v4  }
0x40: {  	v4 =	vperm.xlane v3, v0;
	_ =	sdelay $0x1  }
0x41: {  	v4 =	vadd.s32 v1, v4;
	_ =	sdelay $0x1  }
0x42: {  	v3 =	vperm.xlane v3, v2;
	_ =	sdelay $0x1  }
0x43: {  	s31 =	simm.s32 $0x4380;
	v3 =	vadd.s32 v1, v3  }
0x44: {  	[tilespmem:s31], [sflag:$0x1] =	stream.indirect_vreg.gather [hbm4b:s2+s3], $0x80, v4, vm0, $0xb8;
	[tilespmem:$0x14380] =	vst v63  }
0x45: {  	s31 =	simm.s32 $0x4B80  }
0x46: {  	[tilespmem:s31], [sflag:$0x1] =	stream.indirect_vreg.gather [hbm4b:s5+s3], $0x80, v4, vm0, $0xb8;
	[tilespmem:$0x14380] =	vst v63  }
0x47: {  	s31 =	simm.s32 $0x5380  }
0x48: {  	[tilespmem:s31], [sflag:$0x1] =	stream.indirect_vreg.gather [hbm4b:s2+s3], $0x80, v3, vm0, $0xb8;
	[tilespmem:$0x14380] =	vst v63  }
0x49: {  	s31 =	simm.s32 $0x5B80  }
0x4a: {  	[tilespmem:s31], [sflag:$0x1] =	stream.indirect_vreg.gather [hbm4b:s5+s3], $0x80, v3, vm0, $0xb8;
	[tilespmem:$0x14380] =	vst v63  }
0x4b: {  	v3 =	vld [tilespmem:$0x30];
	_ =	sdelay $0x4  }
0x4c: {  	v57 =	vshll.u32 v3, $0x2  }
0x4d: {  	v3 =	vand.u32 $0x7, v3;
	v4 =	vand.u32 $0xFFFFFFE0, v57  }
0x4e: {  	v3 =	vor.u32 v3, v4  }
0x4f: {  	v4 =	vperm.xlane v3, v0;
	_ =	sdelay $0x1  }
0x50: {  	v4 =	vadd.s32 v1, v4;
	_ =	sdelay $0x1  }
0x51: {  	v3 =	vperm.xlane v3, v2;
	_ =	sdelay $0x1  }
0x52: {  	s31 =	simm.s32 $0x6380;
	v3 =	vadd.s32 v1, v3  }
0x53: {  	[tilespmem:s31], [sflag:$0x1] =	stream.indirect_vreg.gather [hbm4b:s2+s3], $0x80, v4, vm0, $0xb8;
	[tilespmem:$0x14380] =	vst v63  }
0x54: {  	s31 =	simm.s32 $0x6B80  }
0x55: {  	[tilespmem:s31], [sflag:$0x1] =	stream.indirect_vreg.gather [hbm4b:s5+s3], $0x80, v4, vm0, $0xb8;
	[tilespmem:$0x14380] =	vst v63  }
0x56: {  	s31 =	simm.s32 $0x7380  }
0x57: {  	[tilespmem:s31], [sflag:$0x1] =	stream.indirect_vreg.gather [hbm4b:s2+s3], $0x80, v3, vm0, $0xb8;
	[tilespmem:$0x14380] =	vst v63  }
0x58: {  	s31 =	simm.s32 $0x7B80  }
0x59: {  	[tilespmem:s31], [sflag:$0x1] =	stream.indirect_vreg.gather [hbm4b:s5+s3], $0x80, v3, vm0, $0xb8;
	[tilespmem:$0x14380] =	vst v63  }
0x5a: {  	v3 =	vld [tilespmem:$0x40];
	_ =	sdelay $0x4  }
0x5b: {  	v58 =	vshll.u32 v3, $0x2  }
0x5c: {  	v3 =	vand.u32 $0x7, v3;
	v4 =	vand.u32 $0xFFFFFFE0, v58  }
0x5d: {  	v3 =	vor.u32 v3, v4  }
0x5e: {  	v4 =	vperm.xlane v3, v0;
	_ =	sdelay $0x1  }
0x5f: {  	v4 =	vadd.s32 v1, v4;
	_ =	sdelay $0x1  }
0x60: {  	v3 =	vperm.xlane v3, v2;
	_ =	sdelay $0x1  }
0x61: {  	s31 =	simm.s32 $0x8380;
	v3 =	vadd.s32 v1, v3  }
0x62: {  	[tilespmem:s31], [sflag:$0x1] =	stream.indirect_vreg.gather [hbm4b:s2+s3], $0x80, v4, vm0, $0xb8;
	[tilespmem:$0x14380] =	vst v63  }
0x63: {  	s31 =	simm.s32 $0x8B80  }
0x64: {  	[tilespmem:s31], [sflag:$0x1] =	stream.indirect_vreg.gather [hbm4b:s5+s3], $0x80, v4, vm0, $0xb8;
	[tilespmem:$0x14380] =	vst v63  }
0x65: {  	s31 =	simm.s32 $0x9380  }
0x66: {  	[tilespmem:s31], [sflag:$0x1] =	stream.indirect_vreg.gather [hbm4b:s2+s3], $0x80, v3, vm0, $0xb8;
	[tilespmem:$0x14380] =	vst v63  }
0x67: {  	s31 =	simm.s32 $0x9B80  }
0x68: {  	[tilespmem:s31], [sflag:$0x1] =	stream.indirect_vreg.gather [hbm4b:s5+s3], $0x80, v3, vm0, $0xb8;
	[tilespmem:$0x14380] =	vst v63  }
0x69: {  	v3 =	vld [tilespmem:$0x50];
	_ =	sdelay $0x4  }
0x6a: {  	v59 =	vshll.u32 v3, $0x2  }
0x6b: {  	v3 =	vand.u32 $0x7, v3;
	v4 =	vand.u32 $0xFFFFFFE0, v59  }
0x6c: {  	v3 =	vor.u32 v3, v4  }
0x6d: {  	v4 =	vperm.xlane v3, v0;
	_ =	sdelay $0x1  }
0x6e: {  	v4 =	vadd.s32 v1, v4;
	_ =	sdelay $0x1  }
0x6f: {  	v3 =	vperm.xlane v3, v2;
	_ =	sdelay $0x1  }
0x70: {  	v3 =	vadd.s32 v1, v3  }
0x71: {  	[tilespmem:s30], [sflag:$0x2] =	stream.indirect_vreg.gather [hbm4b:s2+s3], $0x80, v4, vm0, $0xb8;
	[tilespmem:$0x14380] =	vst v63  }
0x72: {  	s31 =	simm.s32 $0xAB80  }
0x73: {  	[tilespmem:s31], [sflag:$0x2] =	stream.indirect_vreg.gather [hbm4b:s5+s3], $0x80, v4, vm0, $0xb8;
	[tilespmem:$0x14380] =	vst v63  }
0x74: {  	s31 =	simm.s32 $0xB380  }
0x75: {  	[tilespmem:s31], [sflag:$0x2] =	stream.indirect_vreg.gather [hbm4b:s2+s3], $0x80, v3, vm0, $0xb8;
	[tilespmem:$0x14380] =	vst v63  }
0x76: {  	_ = 	snop  }
0x77: {  	[tilespmem:s0], [sflag:$0x2] =	stream.indirect_vreg.gather [hbm4b:s5+s3], $0x80, v3, vm0, $0xb8;
	[tilespmem:$0x14380] =	vst v63  }
0x78: {  	v3 =	vld [tilespmem:$0x60];
	_ =	sdelay $0x4  }
0x79: {  	v60 =	vshll.u32 v3, $0x2  }
0x7a: {  	v3 =	vand.u32 $0x7, v3;
	v4 =	vand.u32 $0xFFFFFFE0, v60  }
0x7b: {  	v3 =	vor.u32 v3, v4  }
0x7c: {  	v4 =	vperm.xlane v3, v0;
	_ =	sdelay $0x1  }
0x7d: {  	v4 =	vadd.s32 v1, v4;
	_ =	sdelay $0x1  }
0x7e: {  	v3 =	vperm.xlane v3, v2;
	_ =	sdelay $0x1  }
0x7f: {  	v3 =	vadd.s32 v1, v3  }
0x80: {  	[tilespmem:s4], [sflag:$0x2] =	stream.indirect_vreg.gather [hbm4b:s2+s3], $0x80, v4, vm0, $0xb8;
	[tilespmem:$0x14380] =	vst v63  }
0x81: {  	_ = 	snop  }
0x82: {  	[tilespmem:s6], [sflag:$0x2] =	stream.indirect_vreg.gather [hbm4b:s5+s3], $0x80, v4, vm0, $0xb8;
	[tilespmem:$0x14380] =	vst v63  }
0x83: {  	_ = 	snop  }
0x84: {  	[tilespmem:s8], [sflag:$0x2] =	stream.indirect_vreg.gather [hbm4b:s2+s3], $0x80, v3, vm0, $0xb8;
	[tilespmem:$0x14380] =	vst v63  }
0x85: {  	_ = 	snop  }
0x86: {  	[tilespmem:s10], [sflag:$0x2] =	stream.indirect_vreg.gather [hbm4b:s5+s3], $0x80, v3, vm0, $0xb8;
	[tilespmem:$0x14380] =	vst v63  }
0x87: {  	v3 =	vld [tilespmem:$0x70];
	_ =	sdelay $0x4  }
0x88: {  	v61 =	vshll.u32 v3, $0x2  }
0x89: {  	v3 =	vand.u32 $0x7, v3;
	v4 =	vand.u32 $0xFFFFFFE0, v61  }
0x8a: {  	v3 =	vor.u32 v3, v4  }
0x8b: {  	v4 =	vperm.xlane v3, v0;
	_ =	sdelay $0x1  }
0x8c: {  	v4 =	vadd.s32 v1, v4;
	_ =	sdelay $0x1  }
0x8d: {  	v3 =	vperm.xlane v3, v2;
	_ =	sdelay $0x1  }
0x8e: {  	v3 =	vadd.s32 v1, v3  }
0x8f: {  	[tilespmem:s11], [sflag:$0x2] =	stream.indirect_vreg.gather [hbm4b:s2+s3], $0x80, v4, vm0, $0xb8;
	[tilespmem:$0x14380] =	vst v63  }
0x90: {  	_ = 	snop  }
0x91: {  	[tilespmem:s12], [sflag:$0x2] =	stream.indirect_vreg.gather [hbm4b:s5+s3], $0x80, v4, vm0, $0xb8;
	[tilespmem:$0x14380] =	vst v63  }
0x92: {  	_ = 	snop  }
0x93: {  	[tilespmem:s13], [sflag:$0x2] =	stream.indirect_vreg.gather [hbm4b:s2+s3], $0x80, v3, vm0, $0xb8;
	[tilespmem:$0x14380] =	vst v63  }
0x94: {  	_ = 	snop  }
0x95: {  	[tilespmem:s14], [sflag:$0x2] =	stream.indirect_vreg.gather [hbm4b:s5+s3], $0x80, v3, vm0, $0xb8;
	[tilespmem:$0x14380] =	vst v63  }
0x96: {  	v3 =	vld [tilespmem:$0x80];
	_ =	sdelay $0x4  }
0x97: {  	v62 =	vshll.u32 v3, $0x2  }
0x98: {  	v3 =	vand.u32 $0x7, v3;
	v4 =	vand.u32 $0xFFFFFFE0, v62  }
0x99: {  	v3 =	vor.u32 v3, v4  }
0x9a: {  	v4 =	vperm.xlane v3, v0;
	_ =	sdelay $0x1  }
0x9b: {  	v4 =	vadd.s32 v1, v4;
	_ =	sdelay $0x1  }
0x9c: {  	v3 =	vperm.xlane v3, v2;
	_ =	sdelay $0x1  }
0x9d: {  	v3 =	vadd.s32 v1, v3  }
0x9e: {  	[tilespmem:s15], [sflag:$0x2] =	stream.indirect_vreg.gather [hbm4b:s2+s3], $0x80, v4, vm0, $0xb8;
	[tilespmem:$0x14380] =	vst v63  }
0x9f: {  	_ = 	snop  }
0xa0: {  	[tilespmem:s16], [sflag:$0x2] =	stream.indirect_vreg.gather [hbm4b:s5+s3], $0x80, v4, vm0, $0xb8;
	[tilespmem:$0x14380] =	vst v63  }
0xa1: {  	_ = 	snop  }
0xa2: {  	[tilespmem:s17], [sflag:$0x2] =	stream.indirect_vreg.gather [hbm4b:s2+s3], $0x80, v3, vm0, $0xb8;
	[tilespmem:$0x14380] =	vst v63  }
0xa3: {  	_ = 	snop  }
0xa4: {  	[tilespmem:s18], [sflag:$0x2] =	stream.indirect_vreg.gather [hbm4b:s5+s3], $0x80, v3, vm0, $0xb8;
	[tilespmem:$0x14380] =	vst v63  }
0xa5: {  	v3 =	vld [tilespmem:$0x90];
	_ =	sdelay $0x4  }
0xa6: {  	v63 =	vshll.u32 v3, $0x2  }
0xa7: {  	v3 =	vand.u32 $0x7, v3;
	v4 =	vand.u32 $0xFFFFFFE0, v63  }
0xa8: {  	v3 =	vor.u32 v3, v4  }
0xa9: {  	v4 =	vperm.xlane v3, v0;
	_ =	sdelay $0x1  }
0xaa: {  	v4 =	vadd.s32 v1, v4;
	_ =	sdelay $0x1  }
0xab: {  	v3 =	vperm.xlane v3, v2;
	_ =	sdelay $0x1  }
0xac: {  	v3 =	vadd.s32 v1, v3  }
0xad: {  	[tilespmem:s19], [sflag:$0x2] =	stream.indirect_vreg.gather [hbm4b:s2+s3], $0x80, v4, vm0, $0xb8;
	[tilespmem:$0x14380] =	vst v63  }
0xae: {  	_ = 	snop  }
0xaf: {  	[tilespmem:s20], [sflag:$0x2] =	stream.indirect_vreg.gather [hbm4b:s5+s3], $0x80, v4, vm0, $0xb8;
	[tilespmem:$0x14380] =	vst v63  }
0xb0: {  	_ = 	snop  }
0xb1: {  	[tilespmem:s21], [sflag:$0x2] =	stream.indirect_vreg.gather [hbm4b:s2+s3], $0x80, v3, vm0, $0xb8;
	[tilespmem:$0x14380] =	vst v63  }
0xb2: {  	s29 =	simm.s32 $0x0;
	s28 =	simm.s32 $0x130  }
0xb3: {  	[tilespmem:s22], [sflag:$0x2] =	stream.indirect_vreg.gather [hbm4b:s5+s3], $0x80, v3, vm0, $0xb8;
	[tilespmem:$0x14380] =	vst v63  }
.LBB2_2:
0xb4: {  	_ =	swait.ge [sflag:s23], $0xA000  }
0xb5: {  	p0 =	seq.s32 s29, $0xA000;
	[sflag:s23] =	ssyncset.done $0x0  }
.Ltmp2:
0xb6: {  	s31 =	sadd.s32 s29, s7;
	[sflag:s23] =	ssyncadd.s32 $0xFFFF6000;
	(pc) =	sbr.rel @p0 .LBB2_4-.Ltmp2, $4  }
0xb7: {  	[hbm4b:s31+s3] =	stream.linear.scatter [tilespmem:s9], [sflag:$0x3], $0xA000, $0x38;
	[tilespmem:$0x14380] =	vst v63  }
0xb8: {  	_ =	swait.ge [sflag:s24], $0xA000  }
0xb9: {  	[sflag:s24] =	ssyncset.done $0x0  }
0xba: {  	[sflag:s24] =	ssyncadd.s32 $0xFFFF6000  }
0xbb: {  	v3 =	vld [tilespmem:s28+$0xFFFFFF70];
	_ =	sdelay $0x4  }
0xbc: {  	v4 =	vshll.u32 v3, $0x2  }
0xbd: {  	v3 =	vand.u32 $0x7, v3;
	v4 =	vand.u32 $0xFFFFFFE0, v4  }
0xbe: {  	v3 =	vor.u32 v3, v4  }
0xbf: {  	v4 =	vperm.xlane v3, v0;
	_ =	sdelay $0x1  }
0xc0: {  	v4 =	vadd.s32 v1, v4;
	_ =	sdelay $0x1  }
0xc1: {  	v3 =	vperm.xlane v3, v2;
	_ =	sdelay $0x1  }
0xc2: {  	v3 =	vadd.s32 v1, v3  }
0xc3: {  	[tilespmem:s9], [sflag:$0x1] =	stream.indirect_vreg.gather [hbm4b:s2+s3], $0x80, v4, vm0, $0xb8;
	[tilespmem:$0x14380] =	vst v63  }
0xc4: {  	s1 =	simm.s32 $0xB80  }
0xc5: {  	[tilespmem:s1], [sflag:$0x1] =	stream.indirect_vreg.gather [hbm4b:s5+s3], $0x80, v4, vm0, $0xb8;
	[tilespmem:$0x14380] =	vst v63  }
0xc6: {  	s1 =	simm.s32 $0x1380  }
0xc7: {  	[tilespmem:s1], [sflag:$0x1] =	stream.indirect_vreg.gather [hbm4b:s2+s3], $0x80, v3, vm0, $0xb8;
	[tilespmem:$0x14380] =	vst v63  }
0xc8: {  	s1 =	simm.s32 $0x1B80  }
0xc9: {  	[tilespmem:s1], [sflag:$0x1] =	stream.indirect_vreg.gather [hbm4b:s5+s3], $0x80, v3, vm0, $0xb8;
	[tilespmem:$0x14380] =	vst v63  }
0xca: {  	v3 =	vld [tilespmem:s28+$0xFFFFFF80];
	_ =	sdelay $0x4  }
0xcb: {  	v60 =	vshll.u32 v3, $0x2  }
0xcc: {  	v3 =	vand.u32 $0x7, v3;
	v4 =	vand.u32 $0xFFFFFFE0, v60  }
0xcd: {  	v3 =	vor.u32 v3, v4  }
0xce: {  	v4 =	vperm.xlane v3, v0;
	_ =	sdelay $0x1  }
0xcf: {  	v4 =	vadd.s32 v1, v4;
	_ =	sdelay $0x1  }
0xd0: {  	v3 =	vperm.xlane v3, v2;
	_ =	sdelay $0x1  }
0xd1: {  	s1 =	simm.s32 $0x2380;
	v3 =	vadd.s32 v1, v3  }
0xd2: {  	[tilespmem:s1], [sflag:$0x1] =	stream.indirect_vreg.gather [hbm4b:s2+s3], $0x80, v4, vm0, $0xb8;
	[tilespmem:$0x14380] =	vst v63  }
0xd3: {  	s1 =	simm.s32 $0x2B80  }
0xd4: {  	[tilespmem:s1], [sflag:$0x1] =	stream.indirect_vreg.gather [hbm4b:s5+s3], $0x80, v4, vm0, $0xb8;
	[tilespmem:$0x14380] =	vst v63  }
0xd5: {  	s1 =	simm.s32 $0x3380  }
0xd6: {  	[tilespmem:s1], [sflag:$0x1] =	stream.indirect_vreg.gather [hbm4b:s2+s3], $0x80, v3, vm0, $0xb8;
	[tilespmem:$0x14380] =	vst v63  }
0xd7: {  	s1 =	simm.s32 $0x3B80  }
0xd8: {  	[tilespmem:s1], [sflag:$0x1] =	stream.indirect_vreg.gather [hbm4b:s5+s3], $0x80, v3, vm0, $0xb8;
	[tilespmem:$0x14380] =	vst v63  }
0xd9: {  	v3 =	vld [tilespmem:s28+$0xFFFFFF90];
	_ =	sdelay $0x4  }
0xda: {  	v61 =	vshll.u32 v3, $0x2  }
0xdb: {  	v3 =	vand.u32 $0x7, v3;
	v4 =	vand.u32 $0xFFFFFFE0, v61  }
0xdc: {  	v3 =	vor.u32 v3, v4  }
0xdd: {  	v4 =	vperm.xlane v3, v0;
	_ =	sdelay $0x1  }
0xde: {  	v4 =	vadd.s32 v1, v4;
	_ =	sdelay $0x1  }
0xdf: {  	v3 =	vperm.xlane v3, v2;
	_ =	sdelay $0x1  }
0xe0: {  	s1 =	simm.s32 $0x4380;
	v3 =	vadd.s32 v1, v3  }
0xe1: {  	[tilespmem:s1], [sflag:$0x1] =	stream.indirect_vreg.gather [hbm4b:s2+s3], $0x80, v4, vm0, $0xb8;
	[tilespmem:$0x14380] =	vst v63  }
0xe2: {  	s1 =	simm.s32 $0x4B80  }
0xe3: {  	[tilespmem:s1], [sflag:$0x1] =	stream.indirect_vreg.gather [hbm4b:s5+s3], $0x80, v4, vm0, $0xb8;
	[tilespmem:$0x14380] =	vst v63  }
0xe4: {  	s1 =	simm.s32 $0x5380  }
0xe5: {  	[tilespmem:s1], [sflag:$0x1] =	stream.indirect_vreg.gather [hbm4b:s2+s3], $0x80, v3, vm0, $0xb8;
	[tilespmem:$0x14380] =	vst v63  }
0xe6: {  	s1 =	simm.s32 $0x5B80  }
0xe7: {  	[tilespmem:s1], [sflag:$0x1] =	stream.indirect_vreg.gather [hbm4b:s5+s3], $0x80, v3, vm0, $0xb8;
	[tilespmem:$0x14380] =	vst v63  }
0xe8: {  	v3 =	vld [tilespmem:s28+$0xFFFFFFA0];
	_ =	sdelay $0x4  }
0xe9: {  	v62 =	vshll.u32 v3, $0x2  }
0xea: {  	v3 =	vand.u32 $0x7, v3;
	v4 =	vand.u32 $0xFFFFFFE0, v62  }
0xeb: {  	v3 =	vor.u32 v3, v4  }
0xec: {  	v4 =	vperm.xlane v3, v0;
	_ =	sdelay $0x1  }
0xed: {  	v4 =	vadd.s32 v1, v4;
	_ =	sdelay $0x1  }
0xee: {  	v3 =	vperm.xlane v3, v2;
	_ =	sdelay $0x1  }
0xef: {  	s1 =	simm.s32 $0x6380;
	v3 =	vadd.s32 v1, v3  }
0xf0: {  	[tilespmem:s1], [sflag:$0x1] =	stream.indirect_vreg.gather [hbm4b:s2+s3], $0x80, v4, vm0, $0xb8;
	[tilespmem:$0x14380] =	vst v63  }
0xf1: {  	s1 =	simm.s32 $0x6B80  }
0xf2: {  	[tilespmem:s1], [sflag:$0x1] =	stream.indirect_vreg.gather [hbm4b:s5+s3], $0x80, v4, vm0, $0xb8;
	[tilespmem:$0x14380] =	vst v63  }
0xf3: {  	s1 =	simm.s32 $0x7380  }
0xf4: {  	[tilespmem:s1], [sflag:$0x1] =	stream.indirect_vreg.gather [hbm4b:s2+s3], $0x80, v3, vm0, $0xb8;
	[tilespmem:$0x14380] =	vst v63  }
0xf5: {  	s1 =	simm.s32 $0x7B80  }
0xf6: {  	[tilespmem:s1], [sflag:$0x1] =	stream.indirect_vreg.gather [hbm4b:s5+s3], $0x80, v3, vm0, $0xb8;
	[tilespmem:$0x14380] =	vst v63  }
0xf7: {  	v3 =	vld [tilespmem:s28+$0xFFFFFFB0];
	_ =	sdelay $0x4  }
0xf8: {  	v63 =	vshll.u32 v3, $0x2  }
0xf9: {  	v3 =	vand.u32 $0x7, v3;
	v4 =	vand.u32 $0xFFFFFFE0, v63  }
0xfa: {  	v3 =	vor.u32 v3, v4  }
0xfb: {  	v4 =	vperm.xlane v3, v0;
	_ =	sdelay $0x1  }
0xfc: {  	v4 =	vadd.s32 v1, v4;
	_ =	sdelay $0x1  }
0xfd: {  	v3 =	vperm.xlane v3, v2;
	_ =	sdelay $0x1  }
0xfe: {  	s1 =	simm.s32 $0x8380;
	v3 =	vadd.s32 v1, v3  }
0xff: {  	[tilespmem:s1], [sflag:$0x1] =	stream.indirect_vreg.gather [hbm4b:s2+s3], $0x80, v4, vm0, $0xb8;
	[tilespmem:$0x14380] =	vst v63  }
0x100: {  	s1 =	simm.s32 $0x8B80  }
0x101: {  	[tilespmem:s1], [sflag:$0x1] =	stream.indirect_vreg.gather [hbm4b:s5+s3], $0x80, v4, vm0, $0xb8;
	[tilespmem:$0x14380] =	vst v63  }
0x102: {  	s1 =	simm.s32 $0x9380  }
0x103: {  	[tilespmem:s1], [sflag:$0x1] =	stream.indirect_vreg.gather [hbm4b:s2+s3], $0x80, v3, vm0, $0xb8;
	[tilespmem:$0x14380] =	vst v63  }
0x104: {  	s1 =	simm.s32 $0x9B80  }
0x105: {  	[tilespmem:s1], [sflag:$0x1] =	stream.indirect_vreg.gather [hbm4b:s5+s3], $0x80, v3, vm0, $0xb8;
	[tilespmem:$0x14380] =	vst v63  }
.LBB2_4:
0x106: {  	_ =	swait.ge [sflag:s25], $0xA000  }
0x107: {  	[sflag:s25] =	ssyncset.done $0x0  }
.Ltmp3:
0x108: {  	s31 =	sadd.s32 $0x1400, s31;
	[sflag:s25] =	ssyncadd.s32 $0xFFFF6000;
	(pc) =	sbr.rel @p0 .LBB2_6-.Ltmp3, $4  }
0x109: {  	[hbm4b:s31+s3] =	stream.linear.scatter [tilespmem:s30], [sflag:$0x4], $0xA000, $0x38;
	[tilespmem:$0x14380] =	vst v63  }
0x10a: {  	_ =	swait.ge [sflag:s26], $0xA000  }
0x10b: {  	[sflag:s26] =	ssyncset.done $0x0  }
0x10c: {  	[sflag:s26] =	ssyncadd.s32 $0xFFFF6000  }
0x10d: {  	v3 =	vld [tilespmem:s28+$0xFFFFFFC0];
	_ =	sdelay $0x4  }
0x10e: {  	v4 =	vshll.u32 v3, $0x2  }
0x10f: {  	v3 =	vand.u32 $0x7, v3;
	v4 =	vand.u32 $0xFFFFFFE0, v4  }
0x110: {  	v3 =	vor.u32 v3, v4  }
0x111: {  	v4 =	vperm.xlane v3, v0;
	_ =	sdelay $0x1  }
0x112: {  	v4 =	vadd.s32 v1, v4;
	_ =	sdelay $0x1  }
0x113: {  	v3 =	vperm.xlane v3, v2;
	_ =	sdelay $0x1  }
0x114: {  	v3 =	vadd.s32 v1, v3  }
0x115: {  	[tilespmem:s30], [sflag:$0x2] =	stream.indirect_vreg.gather [hbm4b:s2+s3], $0x80, v4, vm0, $0xb8;
	[tilespmem:$0x14380] =	vst v63  }
0x116: {  	s1 =	simm.s32 $0xAB80  }
0x117: {  	[tilespmem:s1], [sflag:$0x2] =	stream.indirect_vreg.gather [hbm4b:s5+s3], $0x80, v4, vm0, $0xb8;
	[tilespmem:$0x14380] =	vst v63  }
0x118: {  	s31 =	simm.s32 $0xB380  }
0x119: {  	[tilespmem:s31], [sflag:$0x2] =	stream.indirect_vreg.gather [hbm4b:s2+s3], $0x80, v3, vm0, $0xb8;
	[tilespmem:$0x14380] =	vst v63  }
0x11a: {  	_ = 	snop  }
0x11b: {  	[tilespmem:s0], [sflag:$0x2] =	stream.indirect_vreg.gather [hbm4b:s5+s3], $0x80, v3, vm0, $0xb8;
	[tilespmem:$0x14380] =	vst v63  }
0x11c: {  	v3 =	vld [tilespmem:s28+$0xFFFFFFD0];
	_ =	sdelay $0x4  }
0x11d: {  	v60 =	vshll.u32 v3, $0x2  }
0x11e: {  	v3 =	vand.u32 $0x7, v3;
	v4 =	vand.u32 $0xFFFFFFE0, v60  }
0x11f: {  	v3 =	vor.u32 v3, v4  }
0x120: {  	v4 =	vperm.xlane v3, v0;
	_ =	sdelay $0x1  }
0x121: {  	v4 =	vadd.s32 v1, v4;
	_ =	sdelay $0x1  }
0x122: {  	v3 =	vperm.xlane v3, v2;
	_ =	sdelay $0x1  }
0x123: {  	v3 =	vadd.s32 v1, v3  }
0x124: {  	[tilespmem:s4], [sflag:$0x2] =	stream.indirect_vreg.gather [hbm4b:s2+s3], $0x80, v4, vm0, $0xb8;
	[tilespmem:$0x14380] =	vst v63  }
0x125: {  	_ = 	snop  }
0x126: {  	[tilespmem:s6], [sflag:$0x2] =	stream.indirect_vreg.gather [hbm4b:s5+s3], $0x80, v4, vm0, $0xb8;
	[tilespmem:$0x14380] =	vst v63  }
0x127: {  	_ = 	snop  }
0x128: {  	[tilespmem:s8], [sflag:$0x2] =	stream.indirect_vreg.gather [hbm4b:s2+s3], $0x80, v3, vm0, $0xb8;
	[tilespmem:$0x14380] =	vst v63  }
0x129: {  	_ = 	snop  }
0x12a: {  	[tilespmem:s10], [sflag:$0x2] =	stream.indirect_vreg.gather [hbm4b:s5+s3], $0x80, v3, vm0, $0xb8;
	[tilespmem:$0x14380] =	vst v63  }
0x12b: {  	v3 =	vld [tilespmem:s28+$0xFFFFFFE0];
	_ =	sdelay $0x4  }
0x12c: {  	v61 =	vshll.u32 v3, $0x2  }
0x12d: {  	v3 =	vand.u32 $0x7, v3;
	v4 =	vand.u32 $0xFFFFFFE0, v61  }
0x12e: {  	v3 =	vor.u32 v3, v4  }
0x12f: {  	v4 =	vperm.xlane v3, v0;
	_ =	sdelay $0x1  }
0x130: {  	v4 =	vadd.s32 v1, v4;
	_ =	sdelay $0x1  }
0x131: {  	v3 =	vperm.xlane v3, v2;
	_ =	sdelay $0x1  }
0x132: {  	v3 =	vadd.s32 v1, v3  }
0x133: {  	[tilespmem:s11], [sflag:$0x2] =	stream.indirect_vreg.gather [hbm4b:s2+s3], $0x80, v4, vm0, $0xb8;
	[tilespmem:$0x14380] =	vst v63  }
0x134: {  	_ = 	snop  }
0x135: {  	[tilespmem:s12], [sflag:$0x2] =	stream.indirect_vreg.gather [hbm4b:s5+s3], $0x80, v4, vm0, $0xb8;
	[tilespmem:$0x14380] =	vst v63  }
0x136: {  	_ = 	snop  }
0x137: {  	[tilespmem:s13], [sflag:$0x2] =	stream.indirect_vreg.gather [hbm4b:s2+s3], $0x80, v3, vm0, $0xb8;
	[tilespmem:$0x14380] =	vst v63  }
0x138: {  	_ = 	snop  }
0x139: {  	[tilespmem:s14], [sflag:$0x2] =	stream.indirect_vreg.gather [hbm4b:s5+s3], $0x80, v3, vm0, $0xb8;
	[tilespmem:$0x14380] =	vst v63  }
0x13a: {  	v3 =	vld [tilespmem:s28+$0xFFFFFFF0];
	_ =	sdelay $0x4  }
0x13b: {  	v62 =	vshll.u32 v3, $0x2  }
0x13c: {  	v3 =	vand.u32 $0x7, v3;
	v4 =	vand.u32 $0xFFFFFFE0, v62  }
0x13d: {  	v3 =	vor.u32 v3, v4  }
0x13e: {  	v4 =	vperm.xlane v3, v0;
	_ =	sdelay $0x1  }
0x13f: {  	v4 =	vadd.s32 v1, v4;
	_ =	sdelay $0x1  }
0x140: {  	v3 =	vperm.xlane v3, v2;
	_ =	sdelay $0x1  }
0x141: {  	v3 =	vadd.s32 v1, v3  }
0x142: {  	[tilespmem:s15], [sflag:$0x2] =	stream.indirect_vreg.gather [hbm4b:s2+s3], $0x80, v4, vm0, $0xb8;
	[tilespmem:$0x14380] =	vst v63  }
0x143: {  	_ = 	snop  }
0x144: {  	[tilespmem:s16], [sflag:$0x2] =	stream.indirect_vreg.gather [hbm4b:s5+s3], $0x80, v4, vm0, $0xb8;
	[tilespmem:$0x14380] =	vst v63  }
0x145: {  	_ = 	snop  }
0x146: {  	[tilespmem:s17], [sflag:$0x2] =	stream.indirect_vreg.gather [hbm4b:s2+s3], $0x80, v3, vm0, $0xb8;
	[tilespmem:$0x14380] =	vst v63  }
0x147: {  	_ = 	snop  }
0x148: {  	[tilespmem:s18], [sflag:$0x2] =	stream.indirect_vreg.gather [hbm4b:s5+s3], $0x80, v3, vm0, $0xb8;
	[tilespmem:$0x14380] =	vst v63  }
0x149: {  	v3 =	vld [tilespmem:s28+$0x0];
	_ =	sdelay $0x4  }
0x14a: {  	v63 =	vshll.u32 v3, $0x2  }
0x14b: {  	v3 =	vand.u32 $0x7, v3;
	v4 =	vand.u32 $0xFFFFFFE0, v63  }
0x14c: {  	v3 =	vor.u32 v3, v4  }
0x14d: {  	v4 =	vperm.xlane v3, v0;
	_ =	sdelay $0x1  }
0x14e: {  	v4 =	vadd.s32 v1, v4;
	_ =	sdelay $0x2  }
0x14f: {  	v3 =	vperm.xlane v3, v2;
	_ =	sdelay $0x1  }
0x150: {  	v3 =	vadd.s32 v1, v3;
	[tilespmem:s19], [sflag:$0x2] =	stream.indirect_vreg.gather [hbm4b:s2+s3], $0x80, v4, vm0, $0xb8;
	[tilespmem:$0x14380] =	vst v63  }
0x151: {  	_ = 	snop  }
0x152: {  	[tilespmem:s20], [sflag:$0x2] =	stream.indirect_vreg.gather [hbm4b:s5+s3], $0x80, v4, vm0, $0xb8;
	[tilespmem:$0x14380] =	vst v63  }
.Ltmp4:
0x153: {  	_ = 	snop;
	(pc) =	sbr.rel .LBB2_2-.Ltmp4, $4  }
0x154: {  	_ = 	snop  }
0x155: {  	[tilespmem:s21], [sflag:$0x2] =	stream.indirect_vreg.gather [hbm4b:s2+s3], $0x80, v3, vm0, $0xb8;
	[tilespmem:$0x14380] =	vst v63  }
0x156: {  	s29 =	sadd.s32 $0x2800, s29;
	s28 =	sadd.s32 $0xA0, s28  }
0x157: {  	[tilespmem:s22], [sflag:$0x2] =	stream.indirect_vreg.gather [hbm4b:s5+s3], $0x80, v3, vm0, $0xb8;
	[tilespmem:$0x14380] =	vst v63  }
.LBB2_7:
0x158: {  	_ =	sfence.sel $0x180000  }
0x159: {  	[bflag:$0x0] =	sbarrier.arrive $0xFFFF  }
0x15a: {  	_ =	strace $0x90000047  }
0x15b: {  	s0 =	stileid.u32;
	[bflag:$0x2] =	sbarrier.arrive $0xFFFF  }
0x15c: {  	p0 =	sne.s32 s0, $0x0;
	s0 =	rddreg [dreg:$0x2]  }
0x15d: {  	s0 =	sadd.s32 @!p0 $0x100000, s0  }
0x15e: {  	[sflag:s0] =	ssyncadd.tile.s32 @!p0 $0x1;
	_ =	shalt  }
.Lfunc_end2:
_tile_overlayer_lowered:
.L_overlay_start_2:
0x15f: {  	(tag) =	ssettag $0x2  }
0x160: {  	s0 =	rddreg [dreg:$0x0];
	s2 =	stileid.u32  }
0x161: {  	s1 =	rddreg [dreg:$0x1];
	p0 =	sne.s32 s2, $0x0  }
0x162: {  	s3 =	rddreg [dreg:$0x2];
	[bflag:$0x3] =	sbarrier.arrive $0xFFFF;
	s2 =	simm.s32 @!p0 $0x1C05  }
0x163: {  	[timem:s3], [sflag:s2] =	dma.local @!p0 [hbm:s0], s1  }
0x164: {  	s0 =	simm.s32 @!p0 $0x5  }
0x165: {  	_ =	swait.ge @!p0 [sflag:s0], s1  }
0x166: {  	s1 =	ssub.s32 @!p0 $0x0, s1;
	[sflag:s0] =	ssyncset.done @!p0 $0x0  }
0x167: {  	[sflag:s0] =	ssyncadd.s32 @!p0 s1  }
0x168: {  	[bflag:$0x3] =	sbarrier.arrive $0xFFFF  }
0x169: {  	_ =	shalt  }

</sc_bundles>
